<compile_context>
chip_gen: v7x
topology: tpu7x:2x2x1
jax: 0.10.2.dev20260603
libtpu: 0.0.44.dev20260713+nightly
codegen_flags: <defaults>
</compile_context>

<pallas_src>
import functools

import jax
import jax.numpy as jnp
from jax import lax
from jax.experimental import pallas as pl
from jax.experimental.pallas import tpu as pltpu
from jax.experimental.pallas import tpu_sc as plsc

_CH = 128


_G = 10


def _sc_gather(x, row, col):
  n, feat = x.shape
  e = row.shape[0]
  info = plsc.get_sparse_core_info()
  nc, ns = info.num_cores, info.num_subcores
  nw = nc * ns
  ss_edges = _G * _CH
  n_ss = e // ss_edges
  iters = (n_ss + nw - 1) // nw

  mesh = plsc.VectorSubcoreMesh(core_axis_name="c", subcore_axis_name="s")

  @functools.partial(
      pl.kernel,
      mesh=mesh,
      out_type=(jax.ShapeDtypeStruct((e, feat), jnp.float32),
                jax.ShapeDtypeStruct((e, feat), jnp.float32)),
      scratch_types=[
          pltpu.VMEM((_G, _CH), jnp.int32),
          pltpu.VMEM((_G, _CH), jnp.int32),
          pltpu.VMEM((ss_edges, feat), jnp.float32),
          pltpu.VMEM((ss_edges, feat), jnp.float32),
          pltpu.SemaphoreType.DMA,
          pltpu.SemaphoreType.DMA,
          pltpu.SemaphoreType.DMA,
      ],
      compiler_params=pltpu.CompilerParams(use_tc_tiling_on_sc=False),
  )
  def k(x_hbm, row_hbm, col_hbm, src_out, dst_out,
        idx_r, idx_c, rows_r, rows_c, sem_i, sem_r, sem_c):
    wid = lax.axis_index("s") * nc + lax.axis_index("c")

    def body(i, carry):
      ss = wid + i * nw

      @pl.when(ss < n_ss)
      def _():
        base = ss * ss_edges
        ld_r = pltpu.async_copy(
            row_hbm.at[pl.ds(ss * _G, _G)], idx_r, sem_i)
        ld_c = pltpu.async_copy(
            col_hbm.at[pl.ds(ss * _G, _G)], idx_c, sem_i)
        ld_r.wait()
        ld_c.wait()
        cps = []
        for g in range(_G):
          cps.append(pltpu.async_copy(
              x_hbm.at[idx_r.at[g]], rows_r.at[pl.ds(g * _CH, _CH)], sem_r))
          cps.append(pltpu.async_copy(
              x_hbm.at[idx_c.at[g]], rows_c.at[pl.ds(g * _CH, _CH)], sem_c))
        for cp in cps:
          cp.wait()
        pltpu.sync_copy(rows_r, src_out.at[pl.ds(base, ss_edges)])
        pltpu.sync_copy(rows_c, dst_out.at[pl.ds(base, ss_edges)])

      return carry

    lax.fori_loop(0, iters, body, 0)

  return k(x, row.reshape(e // _CH, _CH), col.reshape(e // _CH, _CH))


def _tc_edge_mlp(src, dst, ea, mlp1_params):
  (w1, b1), (w2, b2), (w3, b3) = mlp1_params
  e = src.shape[0]
  h = w1.shape[1]

  zpad = jnp.zeros((16, h), jnp.float32)
  a_w = zpad.at[0:3].set(-w1[0:3]).at[15].set(w1[8])
  b_w = zpad.at[0:3].set(w1[0:3]).at[15].set(w1[9])
  c_w = w1[4:8]
  wn = w1[3].reshape(1, h)
  w3p = jnp.concatenate([w3, jnp.zeros((h, 12), jnp.float32)], axis=1)
  b3p = jnp.concatenate(
      [b3, jnp.zeros((12,), jnp.float32)]).reshape(1, 16).at[0, 4].set(1.0)
  m3 = (jnp.arange(16) < 3).astype(jnp.float32).reshape(16, 1)
  pad4_16 = jnp.concatenate(
      [jnp.eye(4, dtype=jnp.float32), jnp.zeros((4, 12), jnp.float32)],
      axis=1)

  def bd(w, p=8):
    a, b = w.shape
    out = jnp.zeros((p * a, p * b), jnp.float32)
    for i in range(p):
      out = out.at[i * a:(i + 1) * a, i * b:(i + 1) * b].set(w)
    return out

  a8 = bd(a_w)
  b8w = bd(b_w)
  c8 = bd(c_w)
  wn8 = bd(wn)
  m38 = bd(m3)
  w28 = bd(w2)
  w38 = bd(w3p)
  p48 = bd(pad4_16)
  b18 = jnp.tile(b1.reshape(1, h), (1, 8))
  b28 = jnp.tile(b2.reshape(1, h), (1, 8))
  b38 = jnp.tile(b3p, (1, 8))

  e8r = e // 8
  blk = 1000
  grid = e8r // blk
  h8 = 8 * h

  def body(src_ref, dst_ref, ea_ref, a_ref, b_ref, c_ref, wn_ref, m3_ref,
           b1_ref, w2_ref, b2_ref, w3_ref, b3_ref, p48_ref, out_ref):
    s = src_ref[...]
    d = dst_ref[...]
    att = ea_ref[...]
    q = d - s
    ssq = jnp.dot(q * q, m3_ref[...], preferred_element_type=jnp.float32)
    nrm = jnp.sqrt(ssq + 1e-12)
    pre = (jnp.dot(s, a_ref[...], preferred_element_type=jnp.float32)
           + jnp.dot(d, b_ref[...], preferred_element_type=jnp.float32)
           + jnp.dot(att, c_ref[...], preferred_element_type=jnp.float32)
           + jnp.dot(nrm, wn_ref[...], preferred_element_type=jnp.float32)
           + b1_ref[...])
    hh = jnp.maximum(pre, 0.0)
    hh = jnp.maximum(
        jnp.dot(hh, w2_ref[...], preferred_element_type=jnp.float32)
        + b2_ref[...], 0.0)
    oo = (jnp.dot(hh, w3_ref[...], preferred_element_type=jnp.float32)
          + b3_ref[...])
    out_ref[...] = oo + jnp.dot(att, p48_ref[...],
                                preferred_element_type=jnp.float32)

  wspec = lambda shape: pl.BlockSpec(shape, lambda i: (0, 0))
  out8 = pl.pallas_call(
      body,
      grid=(grid,),
      in_specs=[
          pl.BlockSpec((blk, 128), lambda i: (i, 0)),
          pl.BlockSpec((blk, 128), lambda i: (i, 0)),
          pl.BlockSpec((blk, 32), lambda i: (i, 0)),
          wspec((128, h8)), wspec((128, h8)), wspec((32, h8)),
          wspec((8, h8)), wspec((128, 8)),
          wspec((1, h8)),
          wspec((h8, h8)), wspec((1, h8)),
          wspec((h8, 128)), wspec((1, 128)),
          wspec((32, 128)),
      ],
      out_specs=pl.BlockSpec((blk, 128), lambda i: (i, 0)),
      out_shape=jax.ShapeDtypeStruct((e8r, 128), jnp.float32),
  )(src.reshape(e8r, 128), dst.reshape(e8r, 128), ea.reshape(e8r, 32),
    a8, b8w, c8, wn8, m38, b18, w28, b28, w38, b38, p48)
  return out8.reshape(e, 16)


def _sc_scatter(e8, col, n_pad):
  e = e8.shape[0]
  info = plsc.get_sparse_core_info()
  nc, ns = info.num_cores, info.num_subcores
  nw = nc * ns
  ss_edges = _G * _CH
  n_ss = e // ss_edges
  iters = (n_ss + nw - 1) // nw
  rows_per_tile = n_pad // ns

  zeros16 = jnp.zeros((n_pad, 16), jnp.float32)
  mesh = plsc.VectorSubcoreMesh(core_axis_name="c", subcore_axis_name="s")

  @functools.partial(
      pl.kernel,
      mesh=mesh,
      out_type=jax.ShapeDtypeStruct((nc, n_pad, 16), jnp.float32),
      scratch_types=[
          pltpu.VMEM((_G, _CH), jnp.int32),
          pltpu.VMEM((ss_edges, 16), jnp.float32),
          pltpu.VMEM_SHARED((n_pad, 16), jnp.float32),
          pltpu.SemaphoreType.DMA,
          pltpu.SemaphoreType.DMA,
      ],
      compiler_params=pltpu.CompilerParams(use_tc_tiling_on_sc=False),
  )
  def k(e_hbm, col_hbm, z_hbm, out_hbm, idx_v, ev, acc, sem_i, sem_s):
    cid = lax.axis_index("c")
    sid = lax.axis_index("s")
    wid = sid * nc + cid
    r0 = sid * rows_per_tile

    pltpu.sync_copy(z_hbm.at[pl.ds(r0, rows_per_tile)],
                    acc.at[pl.ds(r0, rows_per_tile)])
    plsc.subcore_barrier()

    def body(i, carry):
      ss = wid + i * nw

      @pl.when(ss < n_ss)
      def _():
        base = ss * ss_edges
        ld_i = pltpu.async_copy(col_hbm.at[pl.ds(ss * _G, _G)], idx_v, sem_i)
        ld_e = pltpu.async_copy(e_hbm.at[pl.ds(base, ss_edges)], ev, sem_i)
        ld_i.wait()
        ld_e.wait()
        cps = []
        for g in range(_G):
          cps.append(pltpu.async_copy(
              ev.at[pl.ds(g * _CH, _CH)], acc.at[idx_v.at[g]], sem_s,
              add=True))
        for cp in cps:
          cp.wait()

      return carry

    lax.fori_loop(0, iters, body, 0)
    plsc.subcore_barrier()

    pltpu.sync_copy(acc.at[pl.ds(r0, rows_per_tile)],
                    out_hbm.at[cid].at[pl.ds(r0, rows_per_tile)])

  return k(e8, col.reshape(e // _CH, _CH), zeros16)


def _tc_node_dec(x, p0, p1, mlp2_params, dec_params, mode):
  (w21, b21), (w22, b22), (w23, b23) = mlp2_params
  n = x.shape[0]
  h = w21.shape[1]
  t = dec_params[-1][0].shape[1]
  blk = 2000
  grid = n // blk

  wx = jnp.zeros((16, h), jnp.float32).at[14:16].set(w21[0:2])
  wa = jnp.zeros((16, h), jnp.float32).at[0:4].set(w21[2:6])
  sel4 = jnp.zeros((16, 1), jnp.float32).at[4, 0].set(1.0)
  dec_flat = []
  for (wd, bd) in dec_params:
    dec_flat.append(wd)
    dec_flat.append(bd.reshape(1, -1))
  mode_arr = jnp.reshape(jnp.asarray(mode, jnp.int32), (1, 1))

  def body(x_ref, p0_ref, p1_ref, wx_ref, wa_ref, sel_ref, b21_ref, w22_ref,
           b22_ref, w23_ref, b23_ref, d1_ref, db1_ref, d2_ref, db2_ref,
           d3_ref, db3_ref, d4_ref, db4_ref, mode_ref, out_ref):
    xx = x_ref[...]
    ps = p0_ref[...] + p1_ref[...]
    cnt = jnp.maximum(
        jnp.dot(ps, sel_ref[...], preferred_element_type=jnp.float32), 1.0)
    ps_scaled = ps / cnt
    hh = jnp.maximum(
        jnp.dot(xx, wx_ref[...], preferred_element_type=jnp.float32)
        + jnp.dot(ps_scaled, wa_ref[...], preferred_element_type=jnp.float32)
        + b21_ref[...], 0.0)
    hh = jnp.maximum(
        jnp.dot(hh, w22_ref[...], preferred_element_type=jnp.float32)
        + b22_ref[...], 0.0)
    delta = (jnp.dot(hh, w23_ref[...], preferred_element_type=jnp.float32)
             + b23_ref[...])
    lastcol = (lax.broadcasted_iota(jnp.int32, (1, 16), 1) == 15)
    x_res = xx + delta * lastcol.astype(jnp.float32)
    x_new = xx + jnp.maximum(x_res, 0.0)
    hh = jnp.maximum(
        jnp.dot(x_new, d1_ref[...], preferred_element_type=jnp.float32)
        + db1_ref[...], 0.0)
    hh = jnp.maximum(
        jnp.dot(hh, d2_ref[...], preferred_element_type=jnp.float32)
        + db2_ref[...], 0.0)
    hh = jnp.maximum(
        jnp.dot(hh, d3_ref[...], preferred_element_type=jnp.float32)
        + db3_ref[...], 0.0)
    oo = (jnp.dot(hh, d4_ref[...], preferred_element_type=jnp.float32)
          + db4_ref[...])
    mask = (mode_ref[0, 0] == 1).astype(jnp.float32)
    out_ref[...] = oo * mask

  wspec = lambda shape: pl.BlockSpec(shape, lambda i: (0, 0))
  return pl.pallas_call(
      body,
      grid=(grid,),
      in_specs=[
          pl.BlockSpec((blk, 16), lambda i: (i, 0)),
          pl.BlockSpec((blk, 16), lambda i: (i, 0)),
          pl.BlockSpec((blk, 16), lambda i: (i, 0)),
          wspec((16, h)), wspec((16, h)), wspec((16, 1)), wspec((1, h)),
          wspec((h, h)), wspec((1, h)),
          wspec((h, 1)), wspec((1, 1)),
          wspec((16, h)), wspec((1, h)),
          wspec((h, h)), wspec((1, h)),
          wspec((h, h)), wspec((1, h)),
          wspec((h, t)), wspec((1, t)),
          pl.BlockSpec(memory_space=pltpu.SMEM),
      ],
      out_specs=pl.BlockSpec((blk, t), lambda i: (i, 0)),
      out_shape=jax.ShapeDtypeStruct((n, t), jnp.float32),
  )(x, p0, p1, wx, wa, sel4, b21.reshape(1, h), w22, b22.reshape(1, h),
    w23, b23.reshape(1, 1), *dec_flat, mode_arr)


def kernel(x, edge_index, edge_attr, mlp1_params, mlp2_params, dec_params,
           mode):
  n = x.shape[0]
  n_pad = ((n + _CH - 1) // _CH) * _CH
  row = edge_index[0]
  col = edge_index[1]
  src_rows, dst_rows = _sc_gather(x, row, col)
  return src_rows[:3, :3] + dst_rows[:3, :3]
  e16 = _tc_edge_mlp(src_rows, dst_rows, edge_attr, mlp1_params)
  parts = _sc_scatter(e16, col, n_pad)
  p0 = parts[0, :n]
  p1 = parts[1, :n]
  return _tc_node_dec(x, p0, p1, mlp2_params, dec_params, mode)

# --- scband reference (transcript-rebuilt; emitter-appended) ---
"""Pipeline reference for scband-simulator-67886253080808 (READ-ONLY COPY).

The authoritative reference and input builder live on the scoring server;
editing this copy changes nothing except your own understanding.
"""

import jax, jax.numpy as jnp
import numpy as np

N = 50000
E = 800000
FEAT = 16
DE = 4
H = 64
T = 3
NUM_LAYERS = 2


def _init_linear(key, din, dout):
    W = jax.random.normal(key, (din, dout), dtype=jnp.float32) * (1.0 / np.sqrt(din))
    b = jnp.zeros((dout,), dtype=jnp.float32)
    return (W, b)


def setup_inputs(seed: int = 0):
    key = jax.random.key(seed)
    ks = jax.random.split(key, 13)
    x = jax.random.normal(ks[0], (N, FEAT), dtype=jnp.float32)
    edge_index = jax.random.randint(ks[1], (2, E), 0, N, dtype=jnp.int32)
    edge_attr = jax.random.normal(ks[2], (E, DE), dtype=jnp.float32)
    mlp1_params = [_init_linear(ks[3], 6 + DE, H), _init_linear(ks[4], H, H), _init_linear(ks[5], H, DE)]
    mlp2_params = [_init_linear(ks[6], 2 + DE, H), _init_linear(ks[7], H, H), _init_linear(ks[8], H, 1)]
    dec_params = [_init_linear(ks[9], FEAT, H), _init_linear(ks[10], H, H), _init_linear(ks[11], H, H), _init_linear(ks[12], H, T)]
    return {"x": x, "edge_index": edge_index, "edge_attr": edge_attr,
            "mlp1_params": mlp1_params, "mlp2_params": mlp2_params,
            "dec_params": dec_params, "mode": 1}


def _mlp(params, h):
    for (W, b) in params[:-1]:
        h = jax.nn.relu(h @ W + b)
    W, b = params[-1]
    return h @ W + b


def _edge_model(mlp1_params, src, dest, edge_attr):
    disp_r = dest[:, :3] - src[:, :3]
    f_src = src[:, -1].reshape((-1, 1))
    f_dest = dest[:, -1].reshape((-1, 1))
    norm_r = jnp.sqrt(jnp.sum(disp_r * disp_r, axis=-1, keepdims=True) + 1e-12)
    net_in = jnp.concatenate([disp_r, norm_r, edge_attr, f_src, f_dest], axis=-1)
    return edge_attr + _mlp(mlp1_params, net_in)


def _node_model(mlp2_params, x, edge_index, edge_attr):
    col = edge_index[1]
    n = x.shape[0]
    seg_sum = jax.ops.segment_sum(edge_attr, col, num_segments=n)
    cnt = jax.ops.segment_sum(jnp.ones((edge_attr.shape[0], 1), dtype=x.dtype), col, num_segments=n)
    aggr_out = seg_sum / jnp.maximum(cnt, 1.0)
    net_input = jnp.concatenate([x[:, -2:], aggr_out], axis=-1)
    net_out = _mlp(mlp2_params, net_input)
    return x.at[:, -1].add(net_out[:, 0])


def _meta_layer(x, edge_index, edge_attr, mlp1_params, mlp2_params):
    row = edge_index[0]
    col = edge_index[1]
    src = jnp.take(x, row, axis=0)
    dest = jnp.take(x, col, axis=0)
    e = _edge_model(mlp1_params, src, dest, edge_attr)
    return _node_model(mlp2_params, x, edge_index, e)


def reference(x, edge_index, edge_attr, mlp1_params, mlp2_params, dec_params, mode):
    for _ in range(NUM_LAYERS - 1):
        x_res = _meta_layer(x, edge_index, edge_attr, mlp1_params, mlp2_params)
        x = x + jax.nn.relu(x_res)
    out = _mlp(dec_params, x)
    return jnp.where(mode == 1, out, jnp.zeros_like(out))

if __name__ == "__main__":
    import jax
    _d = setup_inputs()
    print(jax.jit(kernel)(*tuple(_d.values())))

</pallas_src>

<mosaic_0001>
#map = affine_map<(d0, d1) -> (0, 0)>
module attributes {stable_mosaic.version = 14 : i64} {
  func.func @k(%arg0: i32, %arg1: i32, %arg2: memref<50000x16xf32, #tpu.memory_space<hbm>>, %arg3: memref<6250x128xi32, #tpu.memory_space<hbm>>, %arg4: memref<6250x128xi32, #tpu.memory_space<hbm>>, %arg5: memref<800000x16xf32, #tpu.memory_space<hbm>>, %arg6: memref<800000x16xf32, #tpu.memory_space<hbm>>, %arg7: memref<10x128xi32, #tpu.memory_space<vmem>>, %arg8: memref<10x128xi32, #tpu.memory_space<vmem>>, %arg9: memref<1280x16xf32, #tpu.memory_space<vmem>>, %arg10: memref<1280x16xf32, #tpu.memory_space<vmem>>, %arg11: memref<!tpu.dma_semaphore, #tpu.memory_space<semaphore_mem>>, %arg12: memref<!tpu.dma_semaphore, #tpu.memory_space<semaphore_mem>>, %arg13: memref<!tpu.dma_semaphore, #tpu.memory_space<semaphore_mem>>) attributes {dimension_semantics = [#tpu.dimension_semantics<core_parallel>, #tpu.dimension_semantics<subcore_parallel>], iteration_bounds = array<i64: 2, 16>, scalar_prefetch = 0 : i64, scratch_operands = 7 : i64, tpu.core_type = #tpu.core_type<sc_vector_subcore>, window_params = [{transform_indices = #map}, {transform_indices = #map}, {transform_indices = #map}, {transform_indices = #map}, {transform_indices = #map}]} {
    %mul3A = arith.constant 2 : i32
    %mul3A_0 = arith.muli %arg1, %mul3A : i32
    %add3A = arith.addi %mul3A_0, %arg0 : i32
    %scan3A = arith.constant 0 : i32
    %scan3A_1 = arith.constant 0 : i32
    %scan3A_2 = arith.constant 20 : i32
    %scan3A_3 = arith.addi %scan3A_1, %scan3A_2 : i32
    %scan3A_4 = arith.constant 1 : i32
    scf.for %scan3A_6 = %scan3A_1 to %scan3A_3 step %scan3A_4  : i32 {
      %mul3A_7 = arith.constant 32 : i32
      %mul3A_8 = arith.muli %scan3A_6, %mul3A_7 : i32
      %add3A_9 = arith.addi %add3A, %mul3A_8 : i32
      %lt3A = arith.constant 625 : i32
      %lt3A_10 = arith.cmpi slt, %add3A_9, %lt3A : i32
      %convert_element_type3A = arith.extui %lt3A_10 : i1 to i32
      %cond3A = arith.constant 0 : i32
      %cond3A_11 = arith.cmpi ne, %convert_element_type3A, %cond3A : i32
      scf.if %cond3A_11 {
        %mul3A_12 = arith.constant 1280 : i32
        %mul3A_13 = arith.muli %add3A_9, %mul3A_12 : i32
        %mul3A_14 = arith.constant 10 : i32
        %mul3A_15 = arith.muli %add3A_9, %mul3A_14 : i32
        %dma_start3A = arith.constant 0 : i32
        %dma_start3A_16 = tpu.memref_slice %arg3[%mul3A_15, %dma_start3A] : memref<6250x128xi32, #tpu.memory_space<hbm>> -> memref<10x128xi32, #tpu.memory_space<hbm>>
        %dma_start3A_17 = arith.constant 0 : i32
        %dma_start3A_18 = tpu.memref_slice %arg3[%mul3A_15, %dma_start3A_17] : memref<6250x128xi32, #tpu.memory_space<hbm>> -> memref<10x128xi32, #tpu.memory_space<hbm>>
        tpu.enqueue_dma source(%dma_start3A_18 : memref<10x128xi32, #tpu.memory_space<hbm>>) target(%arg7 : memref<10x128xi32, #tpu.memory_space<vmem>>) target_semaphore(%arg11 : memref<!tpu.dma_semaphore, #tpu.memory_space<semaphore_mem>>)
        %mul3A_19 = arith.constant 10 : i32
        %mul3A_20 = arith.muli %add3A_9, %mul3A_19 : i32
        %dma_start3A_21 = arith.constant 0 : i32
        %dma_start3A_22 = tpu.memref_slice %arg4[%mul3A_20, %dma_start3A_21] : memref<6250x128xi32, #tpu.memory_space<hbm>> -> memref<10x128xi32, #tpu.memory_space<hbm>>
        %dma_start3A_23 = arith.constant 0 : i32
        %dma_start3A_24 = tpu.memref_slice %arg4[%mul3A_20, %dma_start3A_23] : memref<6250x128xi32, #tpu.memory_space<hbm>> -> memref<10x128xi32, #tpu.memory_space<hbm>>
        tpu.enqueue_dma source(%dma_start3A_24 : memref<10x128xi32, #tpu.memory_space<hbm>>) target(%arg8 : memref<10x128xi32, #tpu.memory_space<vmem>>) target_semaphore(%arg11 : memref<!tpu.dma_semaphore, #tpu.memory_space<semaphore_mem>>)
        %dma_wait3A = arith.constant 0 : i32
        %dma_wait3A_25 = tpu.memref_slice %arg3[%mul3A_15, %dma_wait3A] : memref<6250x128xi32, #tpu.memory_space<hbm>> -> memref<10x128xi32, #tpu.memory_space<hbm>>
        %dma_wait3A_26 = arith.constant 0 : i32
        %dma_wait3A_27 = tpu.memref_slice %arg3[%mul3A_15, %dma_wait3A_26] : memref<6250x128xi32, #tpu.memory_space<hbm>> -> memref<10x128xi32, #tpu.memory_space<hbm>>
        tpu.wait_dma2 semaphore(%arg11 : memref<!tpu.dma_semaphore, #tpu.memory_space<semaphore_mem>>) src(%dma_wait3A_27 : memref<10x128xi32, #tpu.memory_space<hbm>>) dst(%arg7 : memref<10x128xi32, #tpu.memory_space<vmem>>)
        %dma_wait3A_28 = arith.constant 0 : i32
        %dma_wait3A_29 = tpu.memref_slice %arg4[%mul3A_20, %dma_wait3A_28] : memref<6250x128xi32, #tpu.memory_space<hbm>> -> memref<10x128xi32, #tpu.memory_space<hbm>>
        %dma_wait3A_30 = arith.constant 0 : i32
        %dma_wait3A_31 = tpu.memref_slice %arg4[%mul3A_20, %dma_wait3A_30] : memref<6250x128xi32, #tpu.memory_space<hbm>> -> memref<10x128xi32, #tpu.memory_space<hbm>>
        tpu.wait_dma2 semaphore(%arg11 : memref<!tpu.dma_semaphore, #tpu.memory_space<semaphore_mem>>) src(%dma_wait3A_31 : memref<10x128xi32, #tpu.memory_space<hbm>>) dst(%arg8 : memref<10x128xi32, #tpu.memory_space<vmem>>)
        %dma_start3A_32 = arith.constant 0 : i32
        %dma_start3A_33 = arith.constant 0 : i32
        %dma_start3A_34 = arith.constant 0 : i32
        %dma_start3A_35 = tpu.memref_slice %arg9[%dma_start3A_33, %dma_start3A_34] : memref<1280x16xf32, #tpu.memory_space<vmem>> -> memref<128x16xf32, #tpu.memory_space<vmem>>
        %dma_start3A_36 = arith.constant 0 : i32
        %dma_start3A_37 = tpu.memref_slice %arg7[%dma_start3A_32, %dma_start3A_36] : memref<10x128xi32, #tpu.memory_space<vmem>> -> memref<1x128xi32, #tpu.memory_space<vmem>>
        %dma_start3A_38 = tpu.memref_squeeze %dma_start3A_37 : memref<1x128xi32, #tpu.memory_space<vmem>> -> memref<128xi32, #tpu.memory_space<vmem>>
        %dma_start3A_39 = arith.constant 0 : i32
        %dma_start3A_40 = arith.constant 0 : i32
        %dma_start3A_41 = tpu.memref_slice %arg2[%dma_start3A_39, %dma_start3A_40] : memref<50000x16xf32, #tpu.memory_space<hbm>> -> memref<50000x16xf32, #tpu.memory_space<hbm>>
        tpu.enqueue_indirect_dma source(%dma_start3A_41 : memref<50000x16xf32, #tpu.memory_space<hbm>>) target(%dma_start3A_35 : memref<128x16xf32, #tpu.memory_space<vmem>>) offsets(%dma_start3A_38 : memref<128xi32, #tpu.memory_space<vmem>>) semaphore(%arg12 : memref<!tpu.dma_semaphore, #tpu.memory_space<semaphore_mem>>)
        %dma_start3A_42 = arith.constant 0 : i32
        %dma_start3A_43 = arith.constant 0 : i32
        %dma_start3A_44 = arith.constant 0 : i32
        %dma_start3A_45 = tpu.memref_slice %arg10[%dma_start3A_43, %dma_start3A_44] : memref<1280x16xf32, #tpu.memory_space<vmem>> -> memref<128x16xf32, #tpu.memory_space<vmem>>
        %dma_start3A_46 = arith.constant 0 : i32
        %dma_start3A_47 = tpu.memref_slice %arg8[%dma_start3A_42, %dma_start3A_46] : memref<10x128xi32, #tpu.memory_space<vmem>> -> memref<1x128xi32, #tpu.memory_space<vmem>>
        %dma_start3A_48 = tpu.memref_squeeze %dma_start3A_47 : memref<1x128xi32, #tpu.memory_space<vmem>> -> memref<128xi32, #tpu.memory_space<vmem>>
        %dma_start3A_49 = arith.constant 0 : i32
        %dma_start3A_50 = arith.constant 0 : i32
        %dma_start3A_51 = tpu.memref_slice %arg2[%dma_start3A_49, %dma_start3A_50] : memref<50000x16xf32, #tpu.memory_space<hbm>> -> memref<50000x16xf32, #tpu.memory_space<hbm>>
        tpu.enqueue_indirect_dma source(%dma_start3A_51 : memref<50000x16xf32, #tpu.memory_space<hbm>>) target(%dma_start3A_45 : memref<128x16xf32, #tpu.memory_space<vmem>>) offsets(%dma_start3A_48 : memref<128xi32, #tpu.memory_space<vmem>>) semaphore(%arg13 : memref<!tpu.dma_semaphore, #tpu.memory_space<semaphore_mem>>)
        %dma_start3A_52 = arith.constant 1 : i32
        %dma_start3A_53 = arith.constant 128 : i32
        %dma_start3A_54 = arith.constant 0 : i32
        %dma_start3A_55 = tpu.memref_slice %arg9[%dma_start3A_53, %dma_start3A_54] : memref<1280x16xf32, #tpu.memory_space<vmem>> -> memref<128x16xf32, #tpu.memory_space<vmem>>
        %dma_start3A_56 = arith.constant 0 : i32
        %dma_start3A_57 = tpu.memref_slice %arg7[%dma_start3A_52, %dma_start3A_56] : memref<10x128xi32, #tpu.memory_space<vmem>> -> memref<1x128xi32, #tpu.memory_space<vmem>>
        %dma_start3A_58 = tpu.memref_squeeze %dma_start3A_57 : memref<1x128xi32, #tpu.memory_space<vmem>> -> memref<128xi32, #tpu.memory_space<vmem>>
        %dma_start3A_59 = arith.constant 0 : i32
        %dma_start3A_60 = arith.constant 0 : i32
        %dma_start3A_61 = tpu.memref_slice %arg2[%dma_start3A_59, %dma_start3A_60] : memref<50000x16xf32, #tpu.memory_space<hbm>> -> memref<50000x16xf32, #tpu.memory_space<hbm>>
        tpu.enqueue_indirect_dma source(%dma_start3A_61 : memref<50000x16xf32, #tpu.memory_space<hbm>>) target(%dma_start3A_55 : memref<128x16xf32, #tpu.memory_space<vmem>>) offsets(%dma_start3A_58 : memref<128xi32, #tpu.memory_space<vmem>>) semaphore(%arg12 : memref<!tpu.dma_semaphore, #tpu.memory_space<semaphore_mem>>)
        %dma_start3A_62 = arith.constant 1 : i32
        %dma_start3A_63 = arith.constant 128 : i32
        %dma_start3A_64 = arith.constant 0 : i32
        %dma_start3A_65 = tpu.memref_slice %arg10[%dma_start3A_63, %dma_start3A_64] : memref<1280x16xf32, #tpu.memory_space<vmem>> -> memref<128x16xf32, #tpu.memory_space<vmem>>
        %dma_start3A_66 = arith.constant 0 : i32
        %dma_start3A_67 = tpu.memref_slice %arg8[%dma_start3A_62, %dma_start3A_66] : memref<10x128xi32, #tpu.memory_space<vmem>> -> memref<1x128xi32, #tpu.memory_space<vmem>>
        %dma_start3A_68 = tpu.memref_squeeze %dma_start3A_67 : memref<1x128xi32, #tpu.memory_space<vmem>> -> memref<128xi32, #tpu.memory_space<vmem>>
        %dma_start3A_69 = arith.constant 0 : i32
        %dma_start3A_70 = arith.constant 0 : i32
        %dma_start3A_71 = tpu.memref_slice %arg2[%dma_start3A_69, %dma_start3A_70] : memref<50000x16xf32, #tpu.memory_space<hbm>> -> memref<50000x16xf32, #tpu.memory_space<hbm>>
        tpu.enqueue_indirect_dma source(%dma_start3A_71 : memref<50000x16xf32, #tpu.memory_space<hbm>>) target(%dma_start3A_65 : memref<128x16xf32, #tpu.memory_space<vmem>>) offsets(%dma_start3A_68 : memref<128xi32, #tpu.memory_space<vmem>>) semaphore(%arg13 : memref<!tpu.dma_semaphore, #tpu.memory_space<semaphore_mem>>)
        %dma_start3A_72 = arith.constant 2 : i32
        %dma_start3A_73 = arith.constant 256 : i32
        %dma_start3A_74 = arith.constant 0 : i32
        %dma_start3A_75 = tpu.memref_slice %arg9[%dma_start3A_73, %dma_start3A_74] : memref<1280x16xf32, #tpu.memory_space<vmem>> -> memref<128x16xf32, #tpu.memory_space<vmem>>
        %dma_start3A_76 = arith.constant 0 : i32
        %dma_start3A_77 = tpu.memref_slice %arg7[%dma_start3A_72, %dma_start3A_76] : memref<10x128xi32, #tpu.memory_space<vmem>> -> memref<1x128xi32, #tpu.memory_space<vmem>>
        %dma_start3A_78 = tpu.memref_squeeze %dma_start3A_77 : memref<1x128xi32, #tpu.memory_space<vmem>> -> memref<128xi32, #tpu.memory_space<vmem>>
        %dma_start3A_79 = arith.constant 0 : i32
        %dma_start3A_80 = arith.constant 0 : i32
        %dma_start3A_81 = tpu.memref_slice %arg2[%dma_start3A_79, %dma_start3A_80] : memref<50000x16xf32, #tpu.memory_space<hbm>> -> memref<50000x16xf32, #tpu.memory_space<hbm>>
        tpu.enqueue_indirect_dma source(%dma_start3A_81 : memref<50000x16xf32, #tpu.memory_space<hbm>>) target(%dma_start3A_75 : memref<128x16xf32, #tpu.memory_space<vmem>>) offsets(%dma_start3A_78 : memref<128xi32, #tpu.memory_space<vmem>>) semaphore(%arg12 : memref<!tpu.dma_semaphore, #tpu.memory_space<semaphore_mem>>)
        %dma_start3A_82 = arith.constant 2 : i32
        %dma_start3A_83 = arith.constant 256 : i32
        %dma_start3A_84 = arith.constant 0 : i32
        %dma_start3A_85 = tpu.memref_slice %arg10[%dma_start3A_83, %dma_start3A_84] : memref<1280x16xf32, #tpu.memory_space<vmem>> -> memref<128x16xf32, #tpu.memory_space<vmem>>
        %dma_start3A_86 = arith.constant 0 : i32
        %dma_start3A_87 = tpu.memref_slice %arg8[%dma_start3A_82, %dma_start3A_86] : memref<10x128xi32, #tpu.memory_space<vmem>> -> memref<1x128xi32, #tpu.memory_space<vmem>>
        %dma_start3A_88 = tpu.memref_squeeze %dma_start3A_87 : memref<1x128xi32, #tpu.memory_space<vmem>> -> memref<128xi32, #tpu.memory_space<vmem>>
        %dma_start3A_89 = arith.constant 0 : i32
        %dma_start3A_90 = arith.constant 0 : i32
        %dma_start3A_91 = tpu.memref_slice %arg2[%dma_start3A_89, %dma_start3A_90] : memref<50000x16xf32, #tpu.memory_space<hbm>> -> memref<50000x16xf32, #tpu.memory_space<hbm>>
        tpu.enqueue_indirect_dma source(%dma_start3A_91 : memref<50000x16xf32, #tpu.memory_space<hbm>>) target(%dma_start3A_85 : memref<128x16xf32, #tpu.memory_space<vmem>>) offsets(%dma_start3A_88 : memref<128xi32, #tpu.memory_space<vmem>>) semaphore(%arg13 : memref<!tpu.dma_semaphore, #tpu.memory_space<semaphore_mem>>)
        %dma_start3A_92 = arith.constant 3 : i32
        %dma_start3A_93 = arith.constant 384 : i32
        %dma_start3A_94 = arith.constant 0 : i32
        %dma_start3A_95 = tpu.memref_slice %arg9[%dma_start3A_93, %dma_start3A_94] : memref<1280x16xf32, #tpu.memory_space<vmem>> -> memref<128x16xf32, #tpu.memory_space<vmem>>
        %dma_start3A_96 = arith.constant 0 : i32
        %dma_start3A_97 = tpu.memref_slice %arg7[%dma_start3A_92, %dma_start3A_96] : memref<10x128xi32, #tpu.memory_space<vmem>> -> memref<1x128xi32, #tpu.memory_space<vmem>>
        %dma_start3A_98 = tpu.memref_squeeze %dma_start3A_97 : memref<1x128xi32, #tpu.memory_space<vmem>> -> memref<128xi32, #tpu.memory_space<vmem>>
        %dma_start3A_99 = arith.constant 0 : i32
        %dma_start3A_100 = arith.constant 0 : i32
        %dma_start3A_101 = tpu.memref_slice %arg2[%dma_start3A_99, %dma_start3A_100] : memref<50000x16xf32, #tpu.memory_space<hbm>> -> memref<50000x16xf32, #tpu.memory_space<hbm>>
        tpu.enqueue_indirect_dma source(%dma_start3A_101 : memref<50000x16xf32, #tpu.memory_space<hbm>>) target(%dma_start3A_95 : memref<128x16xf32, #tpu.memory_space<vmem>>) offsets(%dma_start3A_98 : memref<128xi32, #tpu.memory_space<vmem>>) semaphore(%arg12 : memref<!tpu.dma_semaphore, #tpu.memory_space<semaphore_mem>>)
        %dma_start3A_102 = arith.constant 3 : i32
        %dma_start3A_103 = arith.constant 384 : i32
        %dma_start3A_104 = arith.constant 0 : i32
        %dma_start3A_105 = tpu.memref_slice %arg10[%dma_start3A_103, %dma_start3A_104] : memref<1280x16xf32, #tpu.memory_space<vmem>> -> memref<128x16xf32, #tpu.memory_space<vmem>>
        %dma_start3A_106 = arith.constant 0 : i32
        %dma_start3A_107 = tpu.memref_slice %arg8[%dma_start3A_102, %dma_start3A_106] : memref<10x128xi32, #tpu.memory_space<vmem>> -> memref<1x128xi32, #tpu.memory_space<vmem>>
        %dma_start3A_108 = tpu.memref_squeeze %dma_start3A_107 : memref<1x128xi32, #tpu.memory_space<vmem>> -> memref<128xi32, #tpu.memory_space<vmem>>
        %dma_start3A_109 = arith.constant 0 : i32
        %dma_start3A_110 = arith.constant 0 : i32
        %dma_start3A_111 = tpu.memref_slice %arg2[%dma_start3A_109, %dma_start3A_110] : memref<50000x16xf32, #tpu.memory_space<hbm>> -> memref<50000x16xf32, #tpu.memory_space<hbm>>
        tpu.enqueue_indirect_dma source(%dma_start3A_111 : memref<50000x16xf32, #tpu.memory_space<hbm>>) target(%dma_start3A_105 : memref<128x16xf32, #tpu.memory_space<vmem>>) offsets(%dma_start3A_108 : memref<128xi32, #tpu.memory_space<vmem>>) semaphore(%arg13 : memref<!tpu.dma_semaphore, #tpu.memory_space<semaphore_mem>>)
        %dma_start3A_112 = arith.constant 4 : i32
        %dma_start3A_113 = arith.constant 512 : i32
        %dma_start3A_114 = arith.constant 0 : i32
        %dma_start3A_115 = tpu.memref_slice %arg9[%dma_start3A_113, %dma_start3A_114] : memref<1280x16xf32, #tpu.memory_space<vmem>> -> memref<128x16xf32, #tpu.memory_space<vmem>>
        %dma_start3A_116 = arith.constant 0 : i32
        %dma_start3A_117 = tpu.memref_slice %arg7[%dma_start3A_112, %dma_start3A_116] : memref<10x128xi32, #tpu.memory_space<vmem>> -> memref<1x128xi32, #tpu.memory_space<vmem>>
        %dma_start3A_118 = tpu.memref_squeeze %dma_start3A_117 : memref<1x128xi32, #tpu.memory_space<vmem>> -> memref<128xi32, #tpu.memory_space<vmem>>
        %dma_start3A_119 = arith.constant 0 : i32
        %dma_start3A_120 = arith.constant 0 : i32
        %dma_start3A_121 = tpu.memref_slice %arg2[%dma_start3A_119, %dma_start3A_120] : memref<50000x16xf32, #tpu.memory_space<hbm>> -> memref<50000x16xf32, #tpu.memory_space<hbm>>
        tpu.enqueue_indirect_dma source(%dma_start3A_121 : memref<50000x16xf32, #tpu.memory_space<hbm>>) target(%dma_start3A_115 : memref<128x16xf32, #tpu.memory_space<vmem>>) offsets(%dma_start3A_118 : memref<128xi32, #tpu.memory_space<vmem>>) semaphore(%arg12 : memref<!tpu.dma_semaphore, #tpu.memory_space<semaphore_mem>>)
        %dma_start3A_122 = arith.constant 4 : i32
        %dma_start3A_123 = arith.constant 512 : i32
        %dma_start3A_124 = arith.constant 0 : i32
        %dma_start3A_125 = tpu.memref_slice %arg10[%dma_start3A_123, %dma_start3A_124] : memref<1280x16xf32, #tpu.memory_space<vmem>> -> memref<128x16xf32, #tpu.memory_space<vmem>>
        %dma_start3A_126 = arith.constant 0 : i32
        %dma_start3A_127 = tpu.memref_slice %arg8[%dma_start3A_122, %dma_start3A_126] : memref<10x128xi32, #tpu.memory_space<vmem>> -> memref<1x128xi32, #tpu.memory_space<vmem>>
        %dma_start3A_128 = tpu.memref_squeeze %dma_start3A_127 : memref<1x128xi32, #tpu.memory_space<vmem>> -> memref<128xi32, #tpu.memory_space<vmem>>
        %dma_start3A_129 = arith.constant 0 : i32
        %dma_start3A_130 = arith.constant 0 : i32
        %dma_start3A_131 = tpu.memref_slice %arg2[%dma_start3A_129, %dma_start3A_130] : memref<50000x16xf32, #tpu.memory_space<hbm>> -> memref<50000x16xf32, #tpu.memory_space<hbm>>
        tpu.enqueue_indirect_dma source(%dma_start3A_131 : memref<50000x16xf32, #tpu.memory_space<hbm>>) target(%dma_start3A_125 : memref<128x16xf32, #tpu.memory_space<vmem>>) offsets(%dma_start3A_128 : memref<128xi32, #tpu.memory_space<vmem>>) semaphore(%arg13 : memref<!tpu.dma_semaphore, #tpu.memory_space<semaphore_mem>>)
        %dma_start3A_132 = arith.constant 5 : i32
        %dma_start3A_133 = arith.constant 640 : i32
        %dma_start3A_134 = arith.constant 0 : i32
        %dma_start3A_135 = tpu.memref_slice %arg9[%dma_start3A_133, %dma_start3A_134] : memref<1280x16xf32, #tpu.memory_space<vmem>> -> memref<128x16xf32, #tpu.memory_space<vmem>>
        %dma_start3A_136 = arith.constant 0 : i32
        %dma_start3A_137 = tpu.memref_slice %arg7[%dma_start3A_132, %dma_start3A_136] : memref<10x128xi32, #tpu.memory_space<vmem>> -> memref<1x128xi32, #tpu.memory_space<vmem>>
        %dma_start3A_138 = tpu.memref_squeeze %dma_start3A_137 : memref<1x128xi32, #tpu.memory_space<vmem>> -> memref<128xi32, #tpu.memory_space<vmem>>
        %dma_start3A_139 = arith.constant 0 : i32
        %dma_start3A_140 = arith.constant 0 : i32
        %dma_start3A_141 = tpu.memref_slice %arg2[%dma_start3A_139, %dma_start3A_140] : memref<50000x16xf32, #tpu.memory_space<hbm>> -> memref<50000x16xf32, #tpu.memory_space<hbm>>
        tpu.enqueue_indirect_dma source(%dma_start3A_141 : memref<50000x16xf32, #tpu.memory_space<hbm>>) target(%dma_start3A_135 : memref<128x16xf32, #tpu.memory_space<vmem>>) offsets(%dma_start3A_138 : memref<128xi32, #tpu.memory_space<vmem>>) semaphore(%arg12 : memref<!tpu.dma_semaphore, #tpu.memory_space<semaphore_mem>>)
        %dma_start3A_142 = arith.constant 5 : i32
        %dma_start3A_143 = arith.constant 640 : i32
        %dma_start3A_144 = arith.constant 0 : i32
        %dma_start3A_145 = tpu.memref_slice %arg10[%dma_start3A_143, %dma_start3A_144] : memref<1280x16xf32, #tpu.memory_space<vmem>> -> memref<128x16xf32, #tpu.memory_space<vmem>>
        %dma_start3A_146 = arith.constant 0 : i32
        %dma_start3A_147 = tpu.memref_slice %arg8[%dma_start3A_142, %dma_start3A_146] : memref<10x128xi32, #tpu.memory_space<vmem>> -> memref<1x128xi32, #tpu.memory_space<vmem>>
        %dma_start3A_148 = tpu.memref_squeeze %dma_start3A_147 : memref<1x128xi32, #tpu.memory_space<vmem>> -> memref<128xi32, #tpu.memory_space<vmem>>
        %dma_start3A_149 = arith.constant 0 : i32
        %dma_start3A_150 = arith.constant 0 : i32
        %dma_start3A_151 = tpu.memref_slice %arg2[%dma_start3A_149, %dma_start3A_150] : memref<50000x16xf32, #tpu.memory_space<hbm>> -> memref<50000x16xf32, #tpu.memory_space<hbm>>
        tpu.enqueue_indirect_dma source(%dma_start3A_151 : memref<50000x16xf32, #tpu.memory_space<hbm>>) target(%dma_start3A_145 : memref<128x16xf32, #tpu.memory_space<vmem>>) offsets(%dma_start3A_148 : memref<128xi32, #tpu.memory_space<vmem>>) semaphore(%arg13 : memref<!tpu.dma_semaphore, #tpu.memory_space<semaphore_mem>>)
        %dma_start3A_152 = arith.constant 6 : i32
        %dma_start3A_153 = arith.constant 768 : i32
        %dma_start3A_154 = arith.constant 0 : i32
        %dma_start3A_155 = tpu.memref_slice %arg9[%dma_start3A_153, %dma_start3A_154] : memref<1280x16xf32, #tpu.memory_space<vmem>> -> memref<128x16xf32, #tpu.memory_space<vmem>>
        %dma_start3A_156 = arith.constant 0 : i32
        %dma_start3A_157 = tpu.memref_slice %arg7[%dma_start3A_152, %dma_start3A_156] : memref<10x128xi32, #tpu.memory_space<vmem>> -> memref<1x128xi32, #tpu.memory_space<vmem>>
        %dma_start3A_158 = tpu.memref_squeeze %dma_start3A_157 : memref<1x128xi32, #tpu.memory_space<vmem>> -> memref<128xi32, #tpu.memory_space<vmem>>
        %dma_start3A_159 = arith.constant 0 : i32
        %dma_start3A_160 = arith.constant 0 : i32
        %dma_start3A_161 = tpu.memref_slice %arg2[%dma_start3A_159, %dma_start3A_160] : memref<50000x16xf32, #tpu.memory_space<hbm>> -> memref<50000x16xf32, #tpu.memory_space<hbm>>
        tpu.enqueue_indirect_dma source(%dma_start3A_161 : memref<50000x16xf32, #tpu.memory_space<hbm>>) target(%dma_start3A_155 : memref<128x16xf32, #tpu.memory_space<vmem>>) offsets(%dma_start3A_158 : memref<128xi32, #tpu.memory_space<vmem>>) semaphore(%arg12 : memref<!tpu.dma_semaphore, #tpu.memory_space<semaphore_mem>>)
        %dma_start3A_162 = arith.constant 6 : i32
        %dma_start3A_163 = arith.constant 768 : i32
        %dma_start3A_164 = arith.constant 0 : i32
        %dma_start3A_165 = tpu.memref_slice %arg10[%dma_start3A_163, %dma_start3A_164] : memref<1280x16xf32, #tpu.memory_space<vmem>> -> memref<128x16xf32, #tpu.memory_space<vmem>>
        %dma_start3A_166 = arith.constant 0 : i32
        %dma_start3A_167 = tpu.memref_slice %arg8[%dma_start3A_162, %dma_start3A_166] : memref<10x128xi32, #tpu.memory_space<vmem>> -> memref<1x128xi32, #tpu.memory_space<vmem>>
        %dma_start3A_168 = tpu.memref_squeeze %dma_start3A_167 : memref<1x128xi32, #tpu.memory_space<vmem>> -> memref<128xi32, #tpu.memory_space<vmem>>
        %dma_start3A_169 = arith.constant 0 : i32
        %dma_start3A_170 = arith.constant 0 : i32
        %dma_start3A_171 = tpu.memref_slice %arg2[%dma_start3A_169, %dma_start3A_170] : memref<50000x16xf32, #tpu.memory_space<hbm>> -> memref<50000x16xf32, #tpu.memory_space<hbm>>
        tpu.enqueue_indirect_dma source(%dma_start3A_171 : memref<50000x16xf32, #tpu.memory_space<hbm>>) target(%dma_start3A_165 : memref<128x16xf32, #tpu.memory_space<vmem>>) offsets(%dma_start3A_168 : memref<128xi32, #tpu.memory_space<vmem>>) semaphore(%arg13 : memref<!tpu.dma_semaphore, #tpu.memory_space<semaphore_mem>>)
        %dma_start3A_172 = arith.constant 7 : i32
        %dma_start3A_173 = arith.constant 896 : i32
        %dma_start3A_174 = arith.constant 0 : i32
        %dma_start3A_175 = tpu.memref_slice %arg9[%dma_start3A_173, %dma_start3A_174] : memref<1280x16xf32, #tpu.memory_space<vmem>> -> memref<128x16xf32, #tpu.memory_space<vmem>>
        %dma_start3A_176 = arith.constant 0 : i32
        %dma_start3A_177 = tpu.memref_slice %arg7[%dma_start3A_172, %dma_start3A_176] : memref<10x128xi32, #tpu.memory_space<vmem>> -> memref<1x128xi32, #tpu.memory_space<vmem>>
        %dma_start3A_178 = tpu.memref_squeeze %dma_start3A_177 : memref<1x128xi32, #tpu.memory_space<vmem>> -> memref<128xi32, #tpu.memory_space<vmem>>
        %dma_start3A_179 = arith.constant 0 : i32
        %dma_start3A_180 = arith.constant 0 : i32
        %dma_start3A_181 = tpu.memref_slice %arg2[%dma_start3A_179, %dma_start3A_180] : memref<50000x16xf32, #tpu.memory_space<hbm>> -> memref<50000x16xf32, #tpu.memory_space<hbm>>
        tpu.enqueue_indirect_dma source(%dma_start3A_181 : memref<50000x16xf32, #tpu.memory_space<hbm>>) target(%dma_start3A_175 : memref<128x16xf32, #tpu.memory_space<vmem>>) offsets(%dma_start3A_178 : memref<128xi32, #tpu.memory_space<vmem>>) semaphore(%arg12 : memref<!tpu.dma_semaphore, #tpu.memory_space<semaphore_mem>>)
        %dma_start3A_182 = arith.constant 7 : i32
        %dma_start3A_183 = arith.constant 896 : i32
        %dma_start3A_184 = arith.constant 0 : i32
        %dma_start3A_185 = tpu.memref_slice %arg10[%dma_start3A_183, %dma_start3A_184] : memref<1280x16xf32, #tpu.memory_space<vmem>> -> memref<128x16xf32, #tpu.memory_space<vmem>>
        %dma_start3A_186 = arith.constant 0 : i32
        %dma_start3A_187 = tpu.memref_slice %arg8[%dma_start3A_182, %dma_start3A_186] : memref<10x128xi32, #tpu.memory_space<vmem>> -> memref<1x128xi32, #tpu.memory_space<vmem>>
        %dma_start3A_188 = tpu.memref_squeeze %dma_start3A_187 : memref<1x128xi32, #tpu.memory_space<vmem>> -> memref<128xi32, #tpu.memory_space<vmem>>
        %dma_start3A_189 = arith.constant 0 : i32
        %dma_start3A_190 = arith.constant 0 : i32
        %dma_start3A_191 = tpu.memref_slice %arg2[%dma_start3A_189, %dma_start3A_190] : memref<50000x16xf32, #tpu.memory_space<hbm>> -> memref<50000x16xf32, #tpu.memory_space<hbm>>
        tpu.enqueue_indirect_dma source(%dma_start3A_191 : memref<50000x16xf32, #tpu.memory_space<hbm>>) target(%dma_start3A_185 : memref<128x16xf32, #tpu.memory_space<vmem>>) offsets(%dma_start3A_188 : memref<128xi32, #tpu.memory_space<vmem>>) semaphore(%arg13 : memref<!tpu.dma_semaphore, #tpu.memory_space<semaphore_mem>>)
        %dma_start3A_192 = arith.constant 8 : i32
        %dma_start3A_193 = arith.constant 1024 : i32
        %dma_start3A_194 = arith.constant 0 : i32
        %dma_start3A_195 = tpu.memref_slice %arg9[%dma_start3A_193, %dma_start3A_194] : memref<1280x16xf32, #tpu.memory_space<vmem>> -> memref<128x16xf32, #tpu.memory_space<vmem>>
        %dma_start3A_196 = arith.constant 0 : i32
        %dma_start3A_197 = tpu.memref_slice %arg7[%dma_start3A_192, %dma_start3A_196] : memref<10x128xi32, #tpu.memory_space<vmem>> -> memref<1x128xi32, #tpu.memory_space<vmem>>
        %dma_start3A_198 = tpu.memref_squeeze %dma_start3A_197 : memref<1x128xi32, #tpu.memory_space<vmem>> -> memref<128xi32, #tpu.memory_space<vmem>>
        %dma_start3A_199 = arith.constant 0 : i32
        %dma_start3A_200 = arith.constant 0 : i32
        %dma_start3A_201 = tpu.memref_slice %arg2[%dma_start3A_199, %dma_start3A_200] : memref<50000x16xf32, #tpu.memory_space<hbm>> -> memref<50000x16xf32, #tpu.memory_space<hbm>>
        tpu.enqueue_indirect_dma source(%dma_start3A_201 : memref<50000x16xf32, #tpu.memory_space<hbm>>) target(%dma_start3A_195 : memref<128x16xf32, #tpu.memory_space<vmem>>) offsets(%dma_start3A_198 : memref<128xi32, #tpu.memory_space<vmem>>) semaphore(%arg12 : memref<!tpu.dma_semaphore, #tpu.memory_space<semaphore_mem>>)
        %dma_start3A_202 = arith.constant 8 : i32
        %dma_start3A_203 = arith.constant 1024 : i32
        %dma_start3A_204 = arith.constant 0 : i32
        %dma_start3A_205 = tpu.memref_slice %arg10[%dma_start3A_203, %dma_start3A_204] : memref<1280x16xf32, #tpu.memory_space<vmem>> -> memref<128x16xf32, #tpu.memory_space<vmem>>
        %dma_start3A_206 = arith.constant 0 : i32
        %dma_start3A_207 = tpu.memref_slice %arg8[%dma_start3A_202, %dma_start3A_206] : memref<10x128xi32, #tpu.memory_space<vmem>> -> memref<1x128xi32, #tpu.memory_space<vmem>>
        %dma_start3A_208 = tpu.memref_squeeze %dma_start3A_207 : memref<1x128xi32, #tpu.memory_space<vmem>> -> memref<128xi32, #tpu.memory_space<vmem>>
        %dma_start3A_209 = arith.constant 0 : i32
        %dma_start3A_210 = arith.constant 0 : i32
        %dma_start3A_211 = tpu.memref_slice %arg2[%dma_start3A_209, %dma_start3A_210] : memref<50000x16xf32, #tpu.memory_space<hbm>> -> memref<50000x16xf32, #tpu.memory_space<hbm>>
        tpu.enqueue_indirect_dma source(%dma_start3A_211 : memref<50000x16xf32, #tpu.memory_space<hbm>>) target(%dma_start3A_205 : memref<128x16xf32, #tpu.memory_space<vmem>>) offsets(%dma_start3A_208 : memref<128xi32, #tpu.memory_space<vmem>>) semaphore(%arg13 : memref<!tpu.dma_semaphore, #tpu.memory_space<semaphore_mem>>)
        %dma_start3A_212 = arith.constant 9 : i32
        %dma_start3A_213 = arith.constant 1152 : i32
        %dma_start3A_214 = arith.constant 0 : i32
        %dma_start3A_215 = tpu.memref_slice %arg9[%dma_start3A_213, %dma_start3A_214] : memref<1280x16xf32, #tpu.memory_space<vmem>> -> memref<128x16xf32, #tpu.memory_space<vmem>>
        %dma_start3A_216 = arith.constant 0 : i32
        %dma_start3A_217 = tpu.memref_slice %arg7[%dma_start3A_212, %dma_start3A_216] : memref<10x128xi32, #tpu.memory_space<vmem>> -> memref<1x128xi32, #tpu.memory_space<vmem>>
        %dma_start3A_218 = tpu.memref_squeeze %dma_start3A_217 : memref<1x128xi32, #tpu.memory_space<vmem>> -> memref<128xi32, #tpu.memory_space<vmem>>
        %dma_start3A_219 = arith.constant 0 : i32
        %dma_start3A_220 = arith.constant 0 : i32
        %dma_start3A_221 = tpu.memref_slice %arg2[%dma_start3A_219, %dma_start3A_220] : memref<50000x16xf32, #tpu.memory_space<hbm>> -> memref<50000x16xf32, #tpu.memory_space<hbm>>
        tpu.enqueue_indirect_dma source(%dma_start3A_221 : memref<50000x16xf32, #tpu.memory_space<hbm>>) target(%dma_start3A_215 : memref<128x16xf32, #tpu.memory_space<vmem>>) offsets(%dma_start3A_218 : memref<128xi32, #tpu.memory_space<vmem>>) semaphore(%arg12 : memref<!tpu.dma_semaphore, #tpu.memory_space<semaphore_mem>>)
        %dma_start3A_222 = arith.constant 9 : i32
        %dma_start3A_223 = arith.constant 1152 : i32
        %dma_start3A_224 = arith.constant 0 : i32
        %dma_start3A_225 = tpu.memref_slice %arg10[%dma_start3A_223, %dma_start3A_224] : memref<1280x16xf32, #tpu.memory_space<vmem>> -> memref<128x16xf32, #tpu.memory_space<vmem>>
        %dma_start3A_226 = arith.constant 0 : i32
        %dma_start3A_227 = tpu.memref_slice %arg8[%dma_start3A_222, %dma_start3A_226] : memref<10x128xi32, #tpu.memory_space<vmem>> -> memref<1x128xi32, #tpu.memory_space<vmem>>
        %dma_start3A_228 = tpu.memref_squeeze %dma_start3A_227 : memref<1x128xi32, #tpu.memory_space<vmem>> -> memref<128xi32, #tpu.memory_space<vmem>>
        %dma_start3A_229 = arith.constant 0 : i32
        %dma_start3A_230 = arith.constant 0 : i32
        %dma_start3A_231 = tpu.memref_slice %arg2[%dma_start3A_229, %dma_start3A_230] : memref<50000x16xf32, #tpu.memory_space<hbm>> -> memref<50000x16xf32, #tpu.memory_space<hbm>>
        tpu.enqueue_indirect_dma source(%dma_start3A_231 : memref<50000x16xf32, #tpu.memory_space<hbm>>) target(%dma_start3A_225 : memref<128x16xf32, #tpu.memory_space<vmem>>) offsets(%dma_start3A_228 : memref<128xi32, #tpu.memory_space<vmem>>) semaphore(%arg13 : memref<!tpu.dma_semaphore, #tpu.memory_space<semaphore_mem>>)
        %dma_wait3A_232 = arith.constant 0 : i32
        %dma_wait3A_233 = arith.constant 0 : i32
        %dma_wait3A_234 = arith.constant 0 : i32
        %dma_wait3A_235 = tpu.memref_slice %arg9[%dma_wait3A_233, %dma_wait3A_234] : memref<1280x16xf32, #tpu.memory_space<vmem>> -> memref<128x16xf32, #tpu.memory_space<vmem>>
        %dma_wait3A_236 = arith.constant 0 : i32
        %dma_wait3A_237 = tpu.memref_slice %arg7[%dma_wait3A_232, %dma_wait3A_236] : memref<10x128xi32, #tpu.memory_space<vmem>> -> memref<1x128xi32, #tpu.memory_space<vmem>>
        %dma_wait3A_238 = tpu.memref_squeeze %dma_wait3A_237 : memref<1x128xi32, #tpu.memory_space<vmem>> -> memref<128xi32, #tpu.memory_space<vmem>>
        %dma_wait3A_239 = arith.constant 0 : i32
        %dma_wait3A_240 = arith.constant 0 : i32
        %dma_wait3A_241 = tpu.memref_slice %arg2[%dma_wait3A_239, %dma_wait3A_240] : memref<50000x16xf32, #tpu.memory_space<hbm>> -> memref<50000x16xf32, #tpu.memory_space<hbm>>
        tpu.wait_indirect_dma semaphore(%arg12 : memref<!tpu.dma_semaphore, #tpu.memory_space<semaphore_mem>>) src(%dma_wait3A_241 : memref<50000x16xf32, #tpu.memory_space<hbm>>) dst(%dma_wait3A_235 : memref<128x16xf32, #tpu.memory_space<vmem>>)
        %dma_wait3A_242 = arith.constant 0 : i32
        %dma_wait3A_243 = arith.constant 0 : i32
        %dma_wait3A_244 = arith.constant 0 : i32
        %dma_wait3A_245 = tpu.memref_slice %arg10[%dma_wait3A_243, %dma_wait3A_244] : memref<1280x16xf32, #tpu.memory_space<vmem>> -> memref<128x16xf32, #tpu.memory_space<vmem>>
        %dma_wait3A_246 = arith.constant 0 : i32
        %dma_wait3A_247 = tpu.memref_slice %arg8[%dma_wait3A_242, %dma_wait3A_246] : memref<10x128xi32, #tpu.memory_space<vmem>> -> memref<1x128xi32, #tpu.memory_space<vmem>>
        %dma_wait3A_248 = tpu.memref_squeeze %dma_wait3A_247 : memref<1x128xi32, #tpu.memory_space<vmem>> -> memref<128xi32, #tpu.memory_space<vmem>>
        %dma_wait3A_249 = arith.constant 0 : i32
        %dma_wait3A_250 = arith.constant 0 : i32
        %dma_wait3A_251 = tpu.memref_slice %arg2[%dma_wait3A_249, %dma_wait3A_250] : memref<50000x16xf32, #tpu.memory_space<hbm>> -> memref<50000x16xf32, #tpu.memory_space<hbm>>
        tpu.wait_indirect_dma semaphore(%arg13 : memref<!tpu.dma_semaphore, #tpu.memory_space<semaphore_mem>>) src(%dma_wait3A_251 : memref<50000x16xf32, #tpu.memory_space<hbm>>) dst(%dma_wait3A_245 : memref<128x16xf32, #tpu.memory_space<vmem>>)
        %dma_wait3A_252 = arith.constant 1 : i32
        %dma_wait3A_253 = arith.constant 128 : i32
        %dma_wait3A_254 = arith.constant 0 : i32
        %dma_wait3A_255 = tpu.memref_slice %arg9[%dma_wait3A_253, %dma_wait3A_254] : memref<1280x16xf32, #tpu.memory_space<vmem>> -> memref<128x16xf32, #tpu.memory_space<vmem>>
        %dma_wait3A_256 = arith.constant 0 : i32
        %dma_wait3A_257 = tpu.memref_slice %arg7[%dma_wait3A_252, %dma_wait3A_256] : memref<10x128xi32, #tpu.memory_space<vmem>> -> memref<1x128xi32, #tpu.memory_space<vmem>>
        %dma_wait3A_258 = tpu.memref_squeeze %dma_wait3A_257 : memref<1x128xi32, #tpu.memory_space<vmem>> -> memref<128xi32, #tpu.memory_space<vmem>>
        %dma_wait3A_259 = arith.constant 0 : i32
        %dma_wait3A_260 = arith.constant 0 : i32
        %dma_wait3A_261 = tpu.memref_slice %arg2[%dma_wait3A_259, %dma_wait3A_260] : memref<50000x16xf32, #tpu.memory_space<hbm>> -> memref<50000x16xf32, #tpu.memory_space<hbm>>
        tpu.wait_indirect_dma semaphore(%arg12 : memref<!tpu.dma_semaphore, #tpu.memory_space<semaphore_mem>>) src(%dma_wait3A_261 : memref<50000x16xf32, #tpu.memory_space<hbm>>) dst(%dma_wait3A_255 : memref<128x16xf32, #tpu.memory_space<vmem>>)
        %dma_wait3A_262 = arith.constant 1 : i32
        %dma_wait3A_263 = arith.constant 128 : i32
        %dma_wait3A_264 = arith.constant 0 : i32
        %dma_wait3A_265 = tpu.memref_slice %arg10[%dma_wait3A_263, %dma_wait3A_264] : memref<1280x16xf32, #tpu.memory_space<vmem>> -> memref<128x16xf32, #tpu.memory_space<vmem>>
        %dma_wait3A_266 = arith.constant 0 : i32
        %dma_wait3A_267 = tpu.memref_slice %arg8[%dma_wait3A_262, %dma_wait3A_266] : memref<10x128xi32, #tpu.memory_space<vmem>> -> memref<1x128xi32, #tpu.memory_space<vmem>>
        %dma_wait3A_268 = tpu.memref_squeeze %dma_wait3A_267 : memref<1x128xi32, #tpu.memory_space<vmem>> -> memref<128xi32, #tpu.memory_space<vmem>>
        %dma_wait3A_269 = arith.constant 0 : i32
        %dma_wait3A_270 = arith.constant 0 : i32
        %dma_wait3A_271 = tpu.memref_slice %arg2[%dma_wait3A_269, %dma_wait3A_270] : memref<50000x16xf32, #tpu.memory_space<hbm>> -> memref<50000x16xf32, #tpu.memory_space<hbm>>
        tpu.wait_indirect_dma semaphore(%arg13 : memref<!tpu.dma_semaphore, #tpu.memory_space<semaphore_mem>>) src(%dma_wait3A_271 : memref<50000x16xf32, #tpu.memory_space<hbm>>) dst(%dma_wait3A_265 : memref<128x16xf32, #tpu.memory_space<vmem>>)
        %dma_wait3A_272 = arith.constant 2 : i32
        %dma_wait3A_273 = arith.constant 256 : i32
        %dma_wait3A_274 = arith.constant 0 : i32
        %dma_wait3A_275 = tpu.memref_slice %arg9[%dma_wait3A_273, %dma_wait3A_274] : memref<1280x16xf32, #tpu.memory_space<vmem>> -> memref<128x16xf32, #tpu.memory_space<vmem>>
        %dma_wait3A_276 = arith.constant 0 : i32
        %dma_wait3A_277 = tpu.memref_slice %arg7[%dma_wait3A_272, %dma_wait3A_276] : memref<10x128xi32, #tpu.memory_space<vmem>> -> memref<1x128xi32, #tpu.memory_space<vmem>>
        %dma_wait3A_278 = tpu.memref_squeeze %dma_wait3A_277 : memref<1x128xi32, #tpu.memory_space<vmem>> -> memref<128xi32, #tpu.memory_space<vmem>>
        %dma_wait3A_279 = arith.constant 0 : i32
        %dma_wait3A_280 = arith.constant 0 : i32
        %dma_wait3A_281 = tpu.memref_slice %arg2[%dma_wait3A_279, %dma_wait3A_280] : memref<50000x16xf32, #tpu.memory_space<hbm>> -> memref<50000x16xf32, #tpu.memory_space<hbm>>
        tpu.wait_indirect_dma semaphore(%arg12 : memref<!tpu.dma_semaphore, #tpu.memory_space<semaphore_mem>>) src(%dma_wait3A_281 : memref<50000x16xf32, #tpu.memory_space<hbm>>) dst(%dma_wait3A_275 : memref<128x16xf32, #tpu.memory_space<vmem>>)
        %dma_wait3A_282 = arith.constant 2 : i32
        %dma_wait3A_283 = arith.constant 256 : i32
        %dma_wait3A_284 = arith.constant 0 : i32
        %dma_wait3A_285 = tpu.memref_slice %arg10[%dma_wait3A_283, %dma_wait3A_284] : memref<1280x16xf32, #tpu.memory_space<vmem>> -> memref<128x16xf32, #tpu.memory_space<vmem>>
        %dma_wait3A_286 = arith.constant 0 : i32
        %dma_wait3A_287 = tpu.memref_slice %arg8[%dma_wait3A_282, %dma_wait3A_286] : memref<10x128xi32, #tpu.memory_space<vmem>> -> memref<1x128xi32, #tpu.memory_space<vmem>>
        %dma_wait3A_288 = tpu.memref_squeeze %dma_wait3A_287 : memref<1x128xi32, #tpu.memory_space<vmem>> -> memref<128xi32, #tpu.memory_space<vmem>>
        %dma_wait3A_289 = arith.constant 0 : i32
        %dma_wait3A_290 = arith.constant 0 : i32
        %dma_wait3A_291 = tpu.memref_slice %arg2[%dma_wait3A_289, %dma_wait3A_290] : memref<50000x16xf32, #tpu.memory_space<hbm>> -> memref<50000x16xf32, #tpu.memory_space<hbm>>
        tpu.wait_indirect_dma semaphore(%arg13 : memref<!tpu.dma_semaphore, #tpu.memory_space<semaphore_mem>>) src(%dma_wait3A_291 : memref<50000x16xf32, #tpu.memory_space<hbm>>) dst(%dma_wait3A_285 : memref<128x16xf32, #tpu.memory_space<vmem>>)
        %dma_wait3A_292 = arith.constant 3 : i32
        %dma_wait3A_293 = arith.constant 384 : i32
        %dma_wait3A_294 = arith.constant 0 : i32
        %dma_wait3A_295 = tpu.memref_slice %arg9[%dma_wait3A_293, %dma_wait3A_294] : memref<1280x16xf32, #tpu.memory_space<vmem>> -> memref<128x16xf32, #tpu.memory_space<vmem>>
        %dma_wait3A_296 = arith.constant 0 : i32
        %dma_wait3A_297 = tpu.memref_slice %arg7[%dma_wait3A_292, %dma_wait3A_296] : memref<10x128xi32, #tpu.memory_space<vmem>> -> memref<1x128xi32, #tpu.memory_space<vmem>>
        %dma_wait3A_298 = tpu.memref_squeeze %dma_wait3A_297 : memref<1x128xi32, #tpu.memory_space<vmem>> -> memref<128xi32, #tpu.memory_space<vmem>>
        %dma_wait3A_299 = arith.constant 0 : i32
        %dma_wait3A_300 = arith.constant 0 : i32
        %dma_wait3A_301 = tpu.memref_slice %arg2[%dma_wait3A_299, %dma_wait3A_300] : memref<50000x16xf32, #tpu.memory_space<hbm>> -> memref<50000x16xf32, #tpu.memory_space<hbm>>
        tpu.wait_indirect_dma semaphore(%arg12 : memref<!tpu.dma_semaphore, #tpu.memory_space<semaphore_mem>>) src(%dma_wait3A_301 : memref<50000x16xf32, #tpu.memory_space<hbm>>) dst(%dma_wait3A_295 : memref<128x16xf32, #tpu.memory_space<vmem>>)
        %dma_wait3A_302 = arith.constant 3 : i32
        %dma_wait3A_303 = arith.constant 384 : i32
        %dma_wait3A_304 = arith.constant 0 : i32
        %dma_wait3A_305 = tpu.memref_slice %arg10[%dma_wait3A_303, %dma_wait3A_304] : memref<1280x16xf32, #tpu.memory_space<vmem>> -> memref<128x16xf32, #tpu.memory_space<vmem>>
        %dma_wait3A_306 = arith.constant 0 : i32
        %dma_wait3A_307 = tpu.memref_slice %arg8[%dma_wait3A_302, %dma_wait3A_306] : memref<10x128xi32, #tpu.memory_space<vmem>> -> memref<1x128xi32, #tpu.memory_space<vmem>>
        %dma_wait3A_308 = tpu.memref_squeeze %dma_wait3A_307 : memref<1x128xi32, #tpu.memory_space<vmem>> -> memref<128xi32, #tpu.memory_space<vmem>>
        %dma_wait3A_309 = arith.constant 0 : i32
        %dma_wait3A_310 = arith.constant 0 : i32
        %dma_wait3A_311 = tpu.memref_slice %arg2[%dma_wait3A_309, %dma_wait3A_310] : memref<50000x16xf32, #tpu.memory_space<hbm>> -> memref<50000x16xf32, #tpu.memory_space<hbm>>
        tpu.wait_indirect_dma semaphore(%arg13 : memref<!tpu.dma_semaphore, #tpu.memory_space<semaphore_mem>>) src(%dma_wait3A_311 : memref<50000x16xf32, #tpu.memory_space<hbm>>) dst(%dma_wait3A_305 : memref<128x16xf32, #tpu.memory_space<vmem>>)
        %dma_wait3A_312 = arith.constant 4 : i32
        %dma_wait3A_313 = arith.constant 512 : i32
        %dma_wait3A_314 = arith.constant 0 : i32
        %dma_wait3A_315 = tpu.memref_slice %arg9[%dma_wait3A_313, %dma_wait3A_314] : memref<1280x16xf32, #tpu.memory_space<vmem>> -> memref<128x16xf32, #tpu.memory_space<vmem>>
        %dma_wait3A_316 = arith.constant 0 : i32
        %dma_wait3A_317 = tpu.memref_slice %arg7[%dma_wait3A_312, %dma_wait3A_316] : memref<10x128xi32, #tpu.memory_space<vmem>> -> memref<1x128xi32, #tpu.memory_space<vmem>>
        %dma_wait3A_318 = tpu.memref_squeeze %dma_wait3A_317 : memref<1x128xi32, #tpu.memory_space<vmem>> -> memref<128xi32, #tpu.memory_space<vmem>>
        %dma_wait3A_319 = arith.constant 0 : i32
        %dma_wait3A_320 = arith.constant 0 : i32
        %dma_wait3A_321 = tpu.memref_slice %arg2[%dma_wait3A_319, %dma_wait3A_320] : memref<50000x16xf32, #tpu.memory_space<hbm>> -> memref<50000x16xf32, #tpu.memory_space<hbm>>
        tpu.wait_indirect_dma semaphore(%arg12 : memref<!tpu.dma_semaphore, #tpu.memory_space<semaphore_mem>>) src(%dma_wait3A_321 : memref<50000x16xf32, #tpu.memory_space<hbm>>) dst(%dma_wait3A_315 : memref<128x16xf32, #tpu.memory_space<vmem>>)
        %dma_wait3A_322 = arith.constant 4 : i32
        %dma_wait3A_323 = arith.constant 512 : i32
        %dma_wait3A_324 = arith.constant 0 : i32
        %dma_wait3A_325 = tpu.memref_slice %arg10[%dma_wait3A_323, %dma_wait3A_324] : memref<1280x16xf32, #tpu.memory_space<vmem>> -> memref<128x16xf32, #tpu.memory_space<vmem>>
        %dma_wait3A_326 = arith.constant 0 : i32
        %dma_wait3A_327 = tpu.memref_slice %arg8[%dma_wait3A_322, %dma_wait3A_326] : memref<10x128xi32, #tpu.memory_space<vmem>> -> memref<1x128xi32, #tpu.memory_space<vmem>>
        %dma_wait3A_328 = tpu.memref_squeeze %dma_wait3A_327 : memref<1x128xi32, #tpu.memory_space<vmem>> -> memref<128xi32, #tpu.memory_space<vmem>>
        %dma_wait3A_329 = arith.constant 0 : i32
        %dma_wait3A_330 = arith.constant 0 : i32
        %dma_wait3A_331 = tpu.memref_slice %arg2[%dma_wait3A_329, %dma_wait3A_330] : memref<50000x16xf32, #tpu.memory_space<hbm>> -> memref<50000x16xf32, #tpu.memory_space<hbm>>
        tpu.wait_indirect_dma semaphore(%arg13 : memref<!tpu.dma_semaphore, #tpu.memory_space<semaphore_mem>>) src(%dma_wait3A_331 : memref<50000x16xf32, #tpu.memory_space<hbm>>) dst(%dma_wait3A_325 : memref<128x16xf32, #tpu.memory_space<vmem>>)
        %dma_wait3A_332 = arith.constant 5 : i32
        %dma_wait3A_333 = arith.constant 640 : i32
        %dma_wait3A_334 = arith.constant 0 : i32
        %dma_wait3A_335 = tpu.memref_slice %arg9[%dma_wait3A_333, %dma_wait3A_334] : memref<1280x16xf32, #tpu.memory_space<vmem>> -> memref<128x16xf32, #tpu.memory_space<vmem>>
        %dma_wait3A_336 = arith.constant 0 : i32
        %dma_wait3A_337 = tpu.memref_slice %arg7[%dma_wait3A_332, %dma_wait3A_336] : memref<10x128xi32, #tpu.memory_space<vmem>> -> memref<1x128xi32, #tpu.memory_space<vmem>>
        %dma_wait3A_338 = tpu.memref_squeeze %dma_wait3A_337 : memref<1x128xi32, #tpu.memory_space<vmem>> -> memref<128xi32, #tpu.memory_space<vmem>>
        %dma_wait3A_339 = arith.constant 0 : i32
        %dma_wait3A_340 = arith.constant 0 : i32
        %dma_wait3A_341 = tpu.memref_slice %arg2[%dma_wait3A_339, %dma_wait3A_340] : memref<50000x16xf32, #tpu.memory_space<hbm>> -> memref<50000x16xf32, #tpu.memory_space<hbm>>
        tpu.wait_indirect_dma semaphore(%arg12 : memref<!tpu.dma_semaphore, #tpu.memory_space<semaphore_mem>>) src(%dma_wait3A_341 : memref<50000x16xf32, #tpu.memory_space<hbm>>) dst(%dma_wait3A_335 : memref<128x16xf32, #tpu.memory_space<vmem>>)
        %dma_wait3A_342 = arith.constant 5 : i32
        %dma_wait3A_343 = arith.constant 640 : i32
        %dma_wait3A_344 = arith.constant 0 : i32
        %dma_wait3A_345 = tpu.memref_slice %arg10[%dma_wait3A_343, %dma_wait3A_344] : memref<1280x16xf32, #tpu.memory_space<vmem>> -> memref<128x16xf32, #tpu.memory_space<vmem>>
        %dma_wait3A_346 = arith.constant 0 : i32
        %dma_wait3A_347 = tpu.memref_slice %arg8[%dma_wait3A_342, %dma_wait3A_346] : memref<10x128xi32, #tpu.memory_space<vmem>> -> memref<1x128xi32, #tpu.memory_space<vmem>>
        %dma_wait3A_348 = tpu.memref_squeeze %dma_wait3A_347 : memref<1x128xi32, #tpu.memory_space<vmem>> -> memref<128xi32, #tpu.memory_space<vmem>>
        %dma_wait3A_349 = arith.constant 0 : i32
        %dma_wait3A_350 = arith.constant 0 : i32
        %dma_wait3A_351 = tpu.memref_slice %arg2[%dma_wait3A_349, %dma_wait3A_350] : memref<50000x16xf32, #tpu.memory_space<hbm>> -> memref<50000x16xf32, #tpu.memory_space<hbm>>
        tpu.wait_indirect_dma semaphore(%arg13 : memref<!tpu.dma_semaphore, #tpu.memory_space<semaphore_mem>>) src(%dma_wait3A_351 : memref<50000x16xf32, #tpu.memory_space<hbm>>) dst(%dma_wait3A_345 : memref<128x16xf32, #tpu.memory_space<vmem>>)
        %dma_wait3A_352 = arith.constant 6 : i32
        %dma_wait3A_353 = arith.constant 768 : i32
        %dma_wait3A_354 = arith.constant 0 : i32
        %dma_wait3A_355 = tpu.memref_slice %arg9[%dma_wait3A_353, %dma_wait3A_354] : memref<1280x16xf32, #tpu.memory_space<vmem>> -> memref<128x16xf32, #tpu.memory_space<vmem>>
        %dma_wait3A_356 = arith.constant 0 : i32
        %dma_wait3A_357 = tpu.memref_slice %arg7[%dma_wait3A_352, %dma_wait3A_356] : memref<10x128xi32, #tpu.memory_space<vmem>> -> memref<1x128xi32, #tpu.memory_space<vmem>>
        %dma_wait3A_358 = tpu.memref_squeeze %dma_wait3A_357 : memref<1x128xi32, #tpu.memory_space<vmem>> -> memref<128xi32, #tpu.memory_space<vmem>>
        %dma_wait3A_359 = arith.constant 0 : i32
        %dma_wait3A_360 = arith.constant 0 : i32
        %dma_wait3A_361 = tpu.memref_slice %arg2[%dma_wait3A_359, %dma_wait3A_360] : memref<50000x16xf32, #tpu.memory_space<hbm>> -> memref<50000x16xf32, #tpu.memory_space<hbm>>
        tpu.wait_indirect_dma semaphore(%arg12 : memref<!tpu.dma_semaphore, #tpu.memory_space<semaphore_mem>>) src(%dma_wait3A_361 : memref<50000x16xf32, #tpu.memory_space<hbm>>) dst(%dma_wait3A_355 : memref<128x16xf32, #tpu.memory_space<vmem>>)
        %dma_wait3A_362 = arith.constant 6 : i32
        %dma_wait3A_363 = arith.constant 768 : i32
        %dma_wait3A_364 = arith.constant 0 : i32
        %dma_wait3A_365 = tpu.memref_slice %arg10[%dma_wait3A_363, %dma_wait3A_364] : memref<1280x16xf32, #tpu.memory_space<vmem>> -> memref<128x16xf32, #tpu.memory_space<vmem>>
        %dma_wait3A_366 = arith.constant 0 : i32
        %dma_wait3A_367 = tpu.memref_slice %arg8[%dma_wait3A_362, %dma_wait3A_366] : memref<10x128xi32, #tpu.memory_space<vmem>> -> memref<1x128xi32, #tpu.memory_space<vmem>>
        %dma_wait3A_368 = tpu.memref_squeeze %dma_wait3A_367 : memref<1x128xi32, #tpu.memory_space<vmem>> -> memref<128xi32, #tpu.memory_space<vmem>>
        %dma_wait3A_369 = arith.constant 0 : i32
        %dma_wait3A_370 = arith.constant 0 : i32
        %dma_wait3A_371 = tpu.memref_slice %arg2[%dma_wait3A_369, %dma_wait3A_370] : memref<50000x16xf32, #tpu.memory_space<hbm>> -> memref<50000x16xf32, #tpu.memory_space<hbm>>
        tpu.wait_indirect_dma semaphore(%arg13 : memref<!tpu.dma_semaphore, #tpu.memory_space<semaphore_mem>>) src(%dma_wait3A_371 : memref<50000x16xf32, #tpu.memory_space<hbm>>) dst(%dma_wait3A_365 : memref<128x16xf32, #tpu.memory_space<vmem>>)
        %dma_wait3A_372 = arith.constant 7 : i32
        %dma_wait3A_373 = arith.constant 896 : i32
        %dma_wait3A_374 = arith.constant 0 : i32
        %dma_wait3A_375 = tpu.memref_slice %arg9[%dma_wait3A_373, %dma_wait3A_374] : memref<1280x16xf32, #tpu.memory_space<vmem>> -> memref<128x16xf32, #tpu.memory_space<vmem>>
        %dma_wait3A_376 = arith.constant 0 : i32
        %dma_wait3A_377 = tpu.memref_slice %arg7[%dma_wait3A_372, %dma_wait3A_376] : memref<10x128xi32, #tpu.memory_space<vmem>> -> memref<1x128xi32, #tpu.memory_space<vmem>>
        %dma_wait3A_378 = tpu.memref_squeeze %dma_wait3A_377 : memref<1x128xi32, #tpu.memory_space<vmem>> -> memref<128xi32, #tpu.memory_space<vmem>>
        %dma_wait3A_379 = arith.constant 0 : i32
        %dma_wait3A_380 = arith.constant 0 : i32
        %dma_wait3A_381 = tpu.memref_slice %arg2[%dma_wait3A_379, %dma_wait3A_380] : memref<50000x16xf32, #tpu.memory_space<hbm>> -> memref<50000x16xf32, #tpu.memory_space<hbm>>
        tpu.wait_indirect_dma semaphore(%arg12 : memref<!tpu.dma_semaphore, #tpu.memory_space<semaphore_mem>>) src(%dma_wait3A_381 : memref<50000x16xf32, #tpu.memory_space<hbm>>) dst(%dma_wait3A_375 : memref<128x16xf32, #tpu.memory_space<vmem>>)
        %dma_wait3A_382 = arith.constant 7 : i32
        %dma_wait3A_383 = arith.constant 896 : i32
        %dma_wait3A_384 = arith.constant 0 : i32
        %dma_wait3A_385 = tpu.memref_slice %arg10[%dma_wait3A_383, %dma_wait3A_384] : memref<1280x16xf32, #tpu.memory_space<vmem>> -> memref<128x16xf32, #tpu.memory_space<vmem>>
        %dma_wait3A_386 = arith.constant 0 : i32
        %dma_wait3A_387 = tpu.memref_slice %arg8[%dma_wait3A_382, %dma_wait3A_386] : memref<10x128xi32, #tpu.memory_space<vmem>> -> memref<1x128xi32, #tpu.memory_space<vmem>>
        %dma_wait3A_388 = tpu.memref_squeeze %dma_wait3A_387 : memref<1x128xi32, #tpu.memory_space<vmem>> -> memref<128xi32, #tpu.memory_space<vmem>>
        %dma_wait3A_389 = arith.constant 0 : i32
        %dma_wait3A_390 = arith.constant 0 : i32
        %dma_wait3A_391 = tpu.memref_slice %arg2[%dma_wait3A_389, %dma_wait3A_390] : memref<50000x16xf32, #tpu.memory_space<hbm>> -> memref<50000x16xf32, #tpu.memory_space<hbm>>
        tpu.wait_indirect_dma semaphore(%arg13 : memref<!tpu.dma_semaphore, #tpu.memory_space<semaphore_mem>>) src(%dma_wait3A_391 : memref<50000x16xf32, #tpu.memory_space<hbm>>) dst(%dma_wait3A_385 : memref<128x16xf32, #tpu.memory_space<vmem>>)
        %dma_wait3A_392 = arith.constant 8 : i32
        %dma_wait3A_393 = arith.constant 1024 : i32
        %dma_wait3A_394 = arith.constant 0 : i32
        %dma_wait3A_395 = tpu.memref_slice %arg9[%dma_wait3A_393, %dma_wait3A_394] : memref<1280x16xf32, #tpu.memory_space<vmem>> -> memref<128x16xf32, #tpu.memory_space<vmem>>
        %dma_wait3A_396 = arith.constant 0 : i32
        %dma_wait3A_397 = tpu.memref_slice %arg7[%dma_wait3A_392, %dma_wait3A_396] : memref<10x128xi32, #tpu.memory_space<vmem>> -> memref<1x128xi32, #tpu.memory_space<vmem>>
        %dma_wait3A_398 = tpu.memref_squeeze %dma_wait3A_397 : memref<1x128xi32, #tpu.memory_space<vmem>> -> memref<128xi32, #tpu.memory_space<vmem>>
        %dma_wait3A_399 = arith.constant 0 : i32
        %dma_wait3A_400 = arith.constant 0 : i32
        %dma_wait3A_401 = tpu.memref_slice %arg2[%dma_wait3A_399, %dma_wait3A_400] : memref<50000x16xf32, #tpu.memory_space<hbm>> -> memref<50000x16xf32, #tpu.memory_space<hbm>>
        tpu.wait_indirect_dma semaphore(%arg12 : memref<!tpu.dma_semaphore, #tpu.memory_space<semaphore_mem>>) src(%dma_wait3A_401 : memref<50000x16xf32, #tpu.memory_space<hbm>>) dst(%dma_wait3A_395 : memref<128x16xf32, #tpu.memory_space<vmem>>)
        %dma_wait3A_402 = arith.constant 8 : i32
        %dma_wait3A_403 = arith.constant 1024 : i32
        %dma_wait3A_404 = arith.constant 0 : i32
        %dma_wait3A_405 = tpu.memref_slice %arg10[%dma_wait3A_403, %dma_wait3A_404] : memref<1280x16xf32, #tpu.memory_space<vmem>> -> memref<128x16xf32, #tpu.memory_space<vmem>>
        %dma_wait3A_406 = arith.constant 0 : i32
        %dma_wait3A_407 = tpu.memref_slice %arg8[%dma_wait3A_402, %dma_wait3A_406] : memref<10x128xi32, #tpu.memory_space<vmem>> -> memref<1x128xi32, #tpu.memory_space<vmem>>
        %dma_wait3A_408 = tpu.memref_squeeze %dma_wait3A_407 : memref<1x128xi32, #tpu.memory_space<vmem>> -> memref<128xi32, #tpu.memory_space<vmem>>
        %dma_wait3A_409 = arith.constant 0 : i32
        %dma_wait3A_410 = arith.constant 0 : i32
        %dma_wait3A_411 = tpu.memref_slice %arg2[%dma_wait3A_409, %dma_wait3A_410] : memref<50000x16xf32, #tpu.memory_space<hbm>> -> memref<50000x16xf32, #tpu.memory_space<hbm>>
        tpu.wait_indirect_dma semaphore(%arg13 : memref<!tpu.dma_semaphore, #tpu.memory_space<semaphore_mem>>) src(%dma_wait3A_411 : memref<50000x16xf32, #tpu.memory_space<hbm>>) dst(%dma_wait3A_405 : memref<128x16xf32, #tpu.memory_space<vmem>>)
        %dma_wait3A_412 = arith.constant 9 : i32
        %dma_wait3A_413 = arith.constant 1152 : i32
        %dma_wait3A_414 = arith.constant 0 : i32
        %dma_wait3A_415 = tpu.memref_slice %arg9[%dma_wait3A_413, %dma_wait3A_414] : memref<1280x16xf32, #tpu.memory_space<vmem>> -> memref<128x16xf32, #tpu.memory_space<vmem>>
        %dma_wait3A_416 = arith.constant 0 : i32
        %dma_wait3A_417 = tpu.memref_slice %arg7[%dma_wait3A_412, %dma_wait3A_416] : memref<10x128xi32, #tpu.memory_space<vmem>> -> memref<1x128xi32, #tpu.memory_space<vmem>>
        %dma_wait3A_418 = tpu.memref_squeeze %dma_wait3A_417 : memref<1x128xi32, #tpu.memory_space<vmem>> -> memref<128xi32, #tpu.memory_space<vmem>>
        %dma_wait3A_419 = arith.constant 0 : i32
        %dma_wait3A_420 = arith.constant 0 : i32
        %dma_wait3A_421 = tpu.memref_slice %arg2[%dma_wait3A_419, %dma_wait3A_420] : memref<50000x16xf32, #tpu.memory_space<hbm>> -> memref<50000x16xf32, #tpu.memory_space<hbm>>
        tpu.wait_indirect_dma semaphore(%arg12 : memref<!tpu.dma_semaphore, #tpu.memory_space<semaphore_mem>>) src(%dma_wait3A_421 : memref<50000x16xf32, #tpu.memory_space<hbm>>) dst(%dma_wait3A_415 : memref<128x16xf32, #tpu.memory_space<vmem>>)
        %dma_wait3A_422 = arith.constant 9 : i32
        %dma_wait3A_423 = arith.constant 1152 : i32
        %dma_wait3A_424 = arith.constant 0 : i32
        %dma_wait3A_425 = tpu.memref_slice %arg10[%dma_wait3A_423, %dma_wait3A_424] : memref<1280x16xf32, #tpu.memory_space<vmem>> -> memref<128x16xf32, #tpu.memory_space<vmem>>
        %dma_wait3A_426 = arith.constant 0 : i32
        %dma_wait3A_427 = tpu.memref_slice %arg8[%dma_wait3A_422, %dma_wait3A_426] : memref<10x128xi32, #tpu.memory_space<vmem>> -> memref<1x128xi32, #tpu.memory_space<vmem>>
        %dma_wait3A_428 = tpu.memref_squeeze %dma_wait3A_427 : memref<1x128xi32, #tpu.memory_space<vmem>> -> memref<128xi32, #tpu.memory_space<vmem>>
        %dma_wait3A_429 = arith.constant 0 : i32
        %dma_wait3A_430 = arith.constant 0 : i32
        %dma_wait3A_431 = tpu.memref_slice %arg2[%dma_wait3A_429, %dma_wait3A_430] : memref<50000x16xf32, #tpu.memory_space<hbm>> -> memref<50000x16xf32, #tpu.memory_space<hbm>>
        tpu.wait_indirect_dma semaphore(%arg13 : memref<!tpu.dma_semaphore, #tpu.memory_space<semaphore_mem>>) src(%dma_wait3A_431 : memref<50000x16xf32, #tpu.memory_space<hbm>>) dst(%dma_wait3A_425 : memref<128x16xf32, #tpu.memory_space<vmem>>)
        "tpu.region"() ({
          %run_scoped3A = tpu.sem_alloc : memref<!tpu.dma_semaphore, #tpu.memory_space<semaphore_mem>>
          %dma_start3A_432 = arith.constant 0 : i32
          %dma_start3A_433 = tpu.memref_slice %arg5[%mul3A_13, %dma_start3A_432] : memref<800000x16xf32, #tpu.memory_space<hbm>> -> memref<1280x16xf32, #tpu.memory_space<hbm>>
          %dma_start3A_434 = arith.constant 0 : i32
          %dma_start3A_435 = tpu.memref_slice %arg5[%mul3A_13, %dma_start3A_434] : memref<800000x16xf32, #tpu.memory_space<hbm>> -> memref<1280x16xf32, #tpu.memory_space<hbm>>
          tpu.enqueue_dma source(%arg9 : memref<1280x16xf32, #tpu.memory_space<vmem>>) target(%dma_start3A_435 : memref<1280x16xf32, #tpu.memory_space<hbm>>) target_semaphore(%run_scoped3A : memref<!tpu.dma_semaphore, #tpu.memory_space<semaphore_mem>>)
          %dma_wait3A_436 = arith.constant 0 : i32
          %dma_wait3A_437 = tpu.memref_slice %arg5[%mul3A_13, %dma_wait3A_436] : memref<800000x16xf32, #tpu.memory_space<hbm>> -> memref<1280x16xf32, #tpu.memory_space<hbm>>
          %dma_wait3A_438 = arith.constant 0 : i32
          %dma_wait3A_439 = tpu.memref_slice %arg5[%mul3A_13, %dma_wait3A_438] : memref<800000x16xf32, #tpu.memory_space<hbm>> -> memref<1280x16xf32, #tpu.memory_space<hbm>>
          tpu.wait_dma2 semaphore(%run_scoped3A : memref<!tpu.dma_semaphore, #tpu.memory_space<semaphore_mem>>) src(%arg9 : memref<1280x16xf32, #tpu.memory_space<vmem>>) dst(%dma_wait3A_439 : memref<1280x16xf32, #tpu.memory_space<hbm>>)
          tpu.yield
        }) : () -> ()
        "tpu.region"() ({
          %run_scoped3A = tpu.sem_alloc : memref<!tpu.dma_semaphore, #tpu.memory_space<semaphore_mem>>
          %dma_start3A_432 = arith.constant 0 : i32
          %dma_start3A_433 = tpu.memref_slice %arg6[%mul3A_13, %dma_start3A_432] : memref<800000x16xf32, #tpu.memory_space<hbm>> -> memref<1280x16xf32, #tpu.memory_space<hbm>>
          %dma_start3A_434 = arith.constant 0 : i32
          %dma_start3A_435 = tpu.memref_slice %arg6[%mul3A_13, %dma_start3A_434] : memref<800000x16xf32, #tpu.memory_space<hbm>> -> memref<1280x16xf32, #tpu.memory_space<hbm>>
          tpu.enqueue_dma source(%arg10 : memref<1280x16xf32, #tpu.memory_space<vmem>>) target(%dma_start3A_435 : memref<1280x16xf32, #tpu.memory_space<hbm>>) target_semaphore(%run_scoped3A : memref<!tpu.dma_semaphore, #tpu.memory_space<semaphore_mem>>)
          %dma_wait3A_436 = arith.constant 0 : i32
          %dma_wait3A_437 = tpu.memref_slice %arg6[%mul3A_13, %dma_wait3A_436] : memref<800000x16xf32, #tpu.memory_space<hbm>> -> memref<1280x16xf32, #tpu.memory_space<hbm>>
          %dma_wait3A_438 = arith.constant 0 : i32
          %dma_wait3A_439 = tpu.memref_slice %arg6[%mul3A_13, %dma_wait3A_438] : memref<800000x16xf32, #tpu.memory_space<hbm>> -> memref<1280x16xf32, #tpu.memory_space<hbm>>
          tpu.wait_dma2 semaphore(%run_scoped3A : memref<!tpu.dma_semaphore, #tpu.memory_space<semaphore_mem>>) src(%arg10 : memref<1280x16xf32, #tpu.memory_space<vmem>>) dst(%dma_wait3A_439 : memref<1280x16xf32, #tpu.memory_space<hbm>>)
          tpu.yield
        }) : () -> ()
      } else {
      }
    }
    %scan3A_5 = arith.constant 20 : i32
    return
  }
}

</mosaic_0001>

<sc_bundles>
// kernel: kernel.3.cloned.1.call-start
scs
__scs_entry_jumppad:
0x0: {  	(pc) =	sbr.rel $0x88, $3  }
0x1: {  	(tag) =	ssettag $0x0;
	lr =	simm.s32 $0x1  }
0x2: {  	[smem:$0x3F9F] =	sst lr;
	_ =	strace $0xD0000000  }
0x3: {  	_ = 	snop  }
0x4: {  	_ = 	snop  }
0x5: {  	_ = 	snop  }
0x6: {  	_ = 	snop  }
0x7: {  	_ = 	snop  }
__scs_overlays_trampoline_lowered:
0x8: {  	[smem:$0x3FAE] =	sst s0  }
0x9: {  	[smem:$0x3FAF] =	sst s1  }
0xa: {  	[smem:$0x3FB0] =	sst s2  }
0xb: {  	[smem:$0x3FB1] =	sst s3  }
0xc: {  	[smem:$0x3FB2] =	sst s4  }
0xd: {  	[smem:$0x3FB3] =	sst s5  }
0xe: {  	[smem:$0x3FB4] =	sst s6  }
0xf: {  	[smem:$0x3FB5] =	sst s7  }
0x10: {  	[smem:$0x3FB6] =	sst s8  }
0x11: {  	[smem:$0x3FB7] =	sst s9;
	s0 =	simm.s32 @!p0 $0x0  }
0x12: {  	s1 =	sld [smem:$0x3F9D];
	s0 =	simm.s32 @p0 $0x1  }
0x13: {  	[smem:$0x3FB8] =	sst s0;
	s0 =	simm.s32 @!p1 $0x0  }
0x14: {  	s2 =	sld [smem:$0x3F9C];
	s0 =	simm.s32 @p1 $0x1  }
0x15: {  	[smem:$0x3FB9] =	sst s0;
	s0 =	simm.s32 @!p2 $0x0  }
0x16: {  	s3 =	sld [smem:$0x3FDB];
	s0 =	simm.s32 @p2 $0x1  }
0x17: {  	s4 =	simm.s32 $0x1BF5;
	[smem:$0x3FBB] =	sst s0  }
0x18: {  	s0 =	sld [smem:$0x3F9E];
	_ =	swait.ge [sflag:s4], $0x0  }
0x19: {  	s7 =	sld [smem:$0x3F9F]  }
0x1a: {  	s8 =	sadd.s32 $0xFFFFE003, lr  }
0x1b: {  	s9 =	sadd.s32 $0xFFFFFEF7, lr;
	s5 =	simm.s32 $0xFFFFFFFF;
	p2 =	slt.u32 s8, $0xFFFFF086  }
0x1c: {  	p1 =	slt.u32 s9, $0xF7A;
	s5 =	simm.s32 @!p2 $0x0  }
0x1d: {  	s5 =	simm.s32 @p1 $0x1;
	p0 =	seq.s32 s7, s2  }
0x1e: {  	s7 =	smul.u32 @!p0 $0xF7A, s2;
	p2 =	seq.s32 @!p0 s5, $0x0  }
0x1f: {  	s9 =	smul.u32 $0xF7A, s1;
	s8 =	simm.s32 @!p0 $0x1BF5;
	p2 =	por !p2, p0  }
0x20: {  	[sflag:s8] =	ssyncset.s32 @!p0 $0xFFFFF086;
	s6 =	sadd.s32 @!p0 s3, s7;
	s7 =	simm.s32 @!p0 $0x108  }
0x21: {  	s3 =	sadd.s32 s3, s9;
	s6 =	sadd.s32 @!p0 $0x88, s6;
	s7 =	simm.s32 @p2 $0x1082  }
0x22: {  	[simem:s7], [sflag:s8] =	dma.local @!p0 [hbm:s6], $0xF7A  }
0x23: {  	s9 =	sor.u32 $0xD0000000, s2;
	s6 =	simm.s32 $0x108;
	_ =	swait.ge @!p0 [sflag:s8], $0x0  }
0x24: {  	s3 =	sadd.s32 $0x88, s3;
	s6 =	simm.s32 @!p1 $0x1082;
	[sflag:s4] =	ssyncset.s32 $0xFFFFF086  }
0x25: {  	[simem:s6], [sflag:s4] =	dma.local [hbm:s3], $0xF7A  }
0x26: {  	[smem:$0x3F9F] =	sst s1;
	(tag) =	ssettag s2;
	_ =	strace s9  }
0x27: {  	s1 =	sld [smem:$0x3FAF]  }
0x28: {  	s2 =	sld [smem:$0x3FB0]  }
0x29: {  	s4 =	sld [smem:$0x3FB2]  }
0x2a: {  	p0 =	seq.s32 s5, $0x0;
	s5 =	sld [smem:$0x3FB3]  }
0x2b: {  	s6 =	sld [smem:$0x3FB4]  }
0x2c: {  	s7 =	sld [smem:$0x3FB5]  }
0x2d: {  	s3 =	simm.s32 $0x108;
	s8 =	sld [smem:$0x3FB6]  }
0x2e: {  	s3 =	simm.s32 @!p0 $0x1082;
	s9 =	sld [smem:$0x3FB7]  }
0x2f: {  	lr =	sadd.s32 s0, s3;
	s0 =	sld [smem:$0x3FAE]  }
0x30: {  	s3 =	sld [smem:$0x3FB1]  }
0x31: {  	[smem:$0x3FBA] =	sst s10  }
0x32: {  	s10 =	sld [smem:$0x3FB8];
	_ =	sdelay $0x3  }
0x33: {  	p0 =	seq.s32 s10, $0x1;
	s10 =	sld [smem:$0x3FBA];
	_ =	sdelay $0x3  }
0x34: {  	[smem:$0x3FBA] =	sst s10  }
0x35: {  	s10 =	sld [smem:$0x3FB9];
	_ =	sdelay $0x3  }
0x36: {  	p1 =	seq.s32 s10, $0x1;
	s10 =	sld [smem:$0x3FBA];
	_ =	sdelay $0x3  }
0x37: {  	[smem:$0x3FBA] =	sst s10  }
0x38: {  	s10 =	sld [smem:$0x3FBB]  }
0x39: {  	_ = 	snop;
	(pc) =	sbr.ind lr, $3  }
0x3a: {  	_ = 	snop  }
0x3b: {  	_ = 	snop  }
0x3c: {  	p2 =	seq.s32 s10, $0x1;
	s10 =	sld [smem:$0x3FBA]  }
0x3d: {  	_ =	shalt  }
0x3e: {  	_ =	shalt  }
0x3f: {  	_ =	shalt  }
0x40: {  	_ =	shalt  }
0x41: {  	_ =	shalt  }
0x42: {  	_ =	shalt  }
0x43: {  	_ =	shalt  }
0x44: {  	_ =	shalt  }
0x45: {  	_ =	shalt  }
0x46: {  	_ =	shalt  }
0x47: {  	_ =	shalt  }
0x48: {  	_ =	shalt  }
0x49: {  	_ =	shalt  }
0x4a: {  	_ =	shalt  }
0x4b: {  	_ =	shalt  }
0x4c: {  	_ =	shalt  }
0x4d: {  	_ =	shalt  }
0x4e: {  	_ =	shalt  }
0x4f: {  	_ =	shalt  }
0x50: {  	_ =	shalt  }
0x51: {  	_ =	shalt  }
0x52: {  	_ =	shalt  }
0x53: {  	_ =	shalt  }
0x54: {  	_ =	shalt  }
0x55: {  	_ =	shalt  }
0x56: {  	_ =	shalt  }
0x57: {  	_ =	shalt  }
0x58: {  	_ =	shalt  }
0x59: {  	_ =	shalt  }
0x5a: {  	_ =	shalt  }
0x5b: {  	_ =	shalt  }
0x5c: {  	_ =	shalt  }
0x5d: {  	_ =	shalt  }
0x5e: {  	_ =	shalt  }
0x5f: {  	_ =	shalt  }
0x60: {  	_ =	shalt  }
0x61: {  	_ =	shalt  }
0x62: {  	_ =	shalt  }
0x63: {  	_ =	shalt  }
0x64: {  	_ =	shalt  }
0x65: {  	_ =	shalt  }
0x66: {  	_ =	shalt  }
0x67: {  	_ =	shalt  }
0x68: {  	_ =	shalt  }
0x69: {  	_ =	shalt  }
0x6a: {  	_ =	shalt  }
0x6b: {  	_ =	shalt  }
0x6c: {  	_ =	shalt  }
0x6d: {  	_ =	shalt  }
0x6e: {  	_ =	shalt  }
0x6f: {  	_ =	shalt  }
0x70: {  	_ =	shalt  }
0x71: {  	_ =	shalt  }
0x72: {  	_ =	shalt  }
0x73: {  	_ =	shalt  }
0x74: {  	_ =	shalt  }
0x75: {  	_ =	shalt  }
0x76: {  	_ =	shalt  }
0x77: {  	_ =	shalt  }
0x78: {  	_ =	shalt  }
0x79: {  	_ =	shalt  }
0x7a: {  	_ =	shalt  }
0x7b: {  	_ =	shalt  }
0x7c: {  	_ =	shalt  }
0x7d: {  	_ =	shalt  }
0x7e: {  	_ =	shalt  }
0x7f: {  	_ =	shalt  }
0x80: {  	_ =	shalt  }
0x81: {  	_ =	shalt  }
0x82: {  	_ =	shalt  }
0x83: {  	_ =	shalt  }
0x84: {  	_ =	shalt  }
0x85: {  	_ =	shalt  }
0x86: {  	_ =	shalt  }
0x87: {  	_ =	shalt  }
.Lfunc_end0:
.L_simem_size_0:
called_computation_lowered:
.L_overlay_start_0:
0x88: {  	s2 =	sld [smem:$0x3FD9]  }
0x89: {  	s3 =	sld [smem:$0x3FFE];
	_ =	sdelay $0x1  }
0x8a: {  	s1 =	srdreg.scid  }
0x8b: {  	s0 =	sand.u32 $0x1, s1  }
0x8c: {  	s16 =	sshll.u32 s0, $0xA;
	s2 =	sadd.s32 s3, s2  }
0x8d: {  	s2 =	sadd.s32 s2, s16  }
0x8e: {  	[smem:$0x3FC6] =	sst s2  }
0x8f: {  	_ = 	snop  }
0x90: {  	(tm) =	ssettm $0x1  }
0x91: {  	s17 =	sld [smem:$0x3FFB];
	_ =	sdelay $0x3  }
0x92: {  	_ =	strace s17  }
0x93: {  	s2 =	sld [smem:$0x3FFC];
	_ =	sdelay $0x3  }
0x94: {  	_ =	strace s2  }
0x95: {  	s2 =	sld [smem:$0x3FFD];
	_ =	sdelay $0x3  }
0x96: {  	_ =	strace s2  }
0x97: {  	_ =	strace $0x8FFFFFFF  }
0x98: {  	s18 =	sld [smem:$0x3FDB];
	_ =	sdelay $0x1  }
0x99: {  	s19 =	simm.s32 $_scs_section_size  }
0x9a: {  	s4 =	simm.s32 $_size__tile_overlayer_lowered;
	s5 =	simm.s32 $_tile_overlayer_lowered  }
0x9b: {  	s22 =	simm.s32 $0x1BFF;
	s21 =	sshll.u32 s5, $0x1;
	s2 =	sadd.s32 s19, s18  }
0x9c: {  	s6 =	simm.s32 $0x0;
	s20 =	sshll.u32 s4, $0x1;
	s4 =	sadd.s32 s21, s2  }
0x9d: {  	[timem:s6], [sflag:s22] =	dma.local [hbm:s4], s20  }
0x9e: {  	_ =	swait.ge [sflag:s22], s20  }
0x9f: {  	s3 =	ssub.s32 $0x0, s20;
	[sflag:s22] =	ssyncset.done $0x0  }
0xa0: {  	[sflag:s22] =	ssyncadd.s32 s3;
	_ =	sdelay $0x1  }
0xa1: {  	s23 =	simm.s32 $0x1B8B  }
0xa2: {  	_ =	swait.ge [sflag:s23], $0x1  }
0xa3: {  	[sflag:s23] =	ssyncset.done $0x0  }
0xa4: {  	s25 =	simm.s32 $0x1B8E;
	s24 =	sld [smem:$0x3FFE];
	[sflag:s23] =	ssyncadd.s32 $0xFFFFFFFF  }
0xa5: {  	s26 =	simm.s32 $execute0_lowered;
	[smem:$0x3FD2] =	sst s25  }
0xa6: {  	s4 =	sshll.u32 s26, $0x1;
	_ =	strace $0x80000046;
	[dreg:$0x1] =	wrdreg $0xFFFFFFFF  }
0xa7: {  	s28 =	simm.s32 $_size_execute0_lowered;
	s2 =	sadd.s32 s2, s4;
	[dreg:$0x0] =	wrdreg $0x0  }
0xa8: {  	s4 =	sshll.u32 s28, $0x1;
	[dreg:$0x2] =	wrdreg s2  }
0xa9: {  	[dreg:$0x3] =	wrdreg s4  }
0xaa: {  	[dreg:$0x4] =	wrdreg $0xC0  }
0xab: {  	_ =	task [dreg:s6], $0x5FFFF  }
0xac: {  	[dreg:$0x1] =	wrdreg $0xFFFFFFFF  }
0xad: {  	[dreg:$0x0] =	wrdreg $0x60  }
0xae: {  	[dreg:$0x2] =	wrdreg s24  }
0xaf: {  	[dreg:$0x3] =	wrdreg $0x9  }
0xb0: {  	_ =	task.clear_ibuf [dreg:s6], $0x4FFFF;
	_ =	strace $0x90000046  }
0xb1: {  	s29 =	simm.s32 $0x9;
	_ =	strace $0x80000048  }
0xb2: {  	_ =	swait.ge [sflag:s29], $0x1  }
0xb3: {  	[sflag:s29] =	ssyncadd.s32 $0xFFFFFFFF  }
0xb4: {  	_ =	strace $0x90000048  }
0xb5: {  	_ =	sfence  }
0xb6: {  	s30 =	sld [smem:$0x0];
	_ =	sdelay $0x2  }
0xb7: {  	s31 =	sshll.u32 s1, $0xD;
	s1 =	sshrl.u32 s1, $0x2  }
0xb8: {  	s3 =	sand.u32 $0x4000, s31;
	s1 =	sadd.s32 s1, s30  }
0xb9: {  	s0 =	sor.u32 s3, s0;
	s1 =	sshll.u32 s1, $0x11  }
0xba: {  	s0 =	sor.u32 s1, s0  }
0xbb: {  	s0 =	sadd.s32 $0x8F2B, s0  }
0xbc: {  	[sflag:s0] =	ssyncadd.remote.s32 $0x1  }
0xbd: {  	_ =	sfence.sel $0xFFFF  }
0xbe: {  	[dreg:$0x0] =	wrdreg $0xFFFFFFFF;
	(pc) =	sbr.abs _section_cstart, $3  }
0xbf: {  	[dreg:$0x1] =	wrdreg $0xFFFFFFFF  }
0xc0: {  	_ =	task.clear_ibuf [dreg:s6], $0x2FFFF;
	_ =	strace $0x9FFFFFFF  }
0xc1: {  	(tm) =	ssettm $0x7FFFFFFF  }
tec
execute0_lowered:
.L_overlay_start_1:
0x0: {  	(tag) =	ssettag $0x1  }
0x1: {  	s0 =	rddreg [dreg:$0x0];
	s2 =	simm.s32 $0x0  }
0x2: {  	s9 =	stileid.u32;
	s1 =	srdreg.scid;
	s10 =	simm.s32 $0x500  }
0x3: {  	s11 =	simm.s32 $0x1;
	s12 =	simm.s32 $0x80;
	s13 =	simm.s32 $0xA00  }
0x4: {  	s14 =	simm.s32 $0x5A00;
	s16 =	simm.s32 $0x380;
	s17 =	simm.s32 $0x4200  }
0x5: {  	s18 =	simm.s32 $0x880;
	s19 =	simm.s32 $0x9200;
	s20 =	simm.s32 $0x400  }
0x6: {  	s21 =	simm.s32 $0x4A00;
	s22 =	simm.s32 $0x900;
	s28 =	simm.s32 $0xA200  }
0x7: {  	s29 =	simm.s32 $0x2;
	s30 =	simm.s32 $0x3;
	s31 =	simm.s32 $0x5  }
0x8: {  	[smem:$0x7FF] =	sst s2;
	s4 =	smul.u32 $0x140, s9;
	s1 =	sand.u32 $0x1, s1  }
0x9: {  	s3 =	sadd.s32 $0x31200, s0;
	s5 =	smul.u32 $0x1400, s9;
	s9 =	sshll.u32 s9, $0x1  }
0xa: {  	_ =	strace $0x80000047;
	s6 =	ssub.s32 $0x2, s1;
	s8 =	smul.u32 $0xA0, s1  }
0xb: {  	s24 =	smul.u32 $0xA00, s1;
	s26 =	sor.u32 s1, s9;
	s4 =	sadd.s32 s4, s0  }
0xc: {  	s7 =	sshrl.u32 s6, $0x1;
	s0 =	sadd.s32 s5, s0;
	[dreg:$0x5] =	wrdreg s26  }
0xd: {  	s26 =	simm.s32 $0x980;
	s23 =	ssub.s32 s6, s7;
	s4 =	sadd.s32 s8, s4  }
.Ltmp0:
0xe: {  	s0 =	sadd.s32 s24, s0;
	s5 =	smax.u32 s23, $0x1;
	(pc) =	sbr.rel .LBB2_1-.Ltmp0, $4  }
0xf: {  	s24 =	simm.s32 $0x480;
	s25 =	sadd.s32 $0x1D0400, s0;
	[dreg:$0x2] =	wrdreg s5  }
0x10: {  	s6 =	sadd.s32 $0x200, s4;
	s0 =	sadd.s32 $0x49A00, s0;
	[dreg:$0x3] =	wrdreg s25  }
0x11: {  	s23 =	simm.s32 $0x9A00;
	s5 =	sadd.s32 $0x18A00, s4;
	[dreg:$0x4] =	wrdreg s0  }
0x12: {  	s25 =	simm.s32 $0x5200;
	s0 =	simm.s32 $0x4;
	s4 =	simm.s32 $0x0  }
.LBB2_5:
0x13: {  	s4 =	rddreg [dreg:$0x6]  }
0x14: {  	s1 =	rddreg [dreg:$0x2];
	s4 =	sadd.s32 $0x1, s4  }
0x15: {  	p0 =	sne.s32 s4, s1  }
.Ltmp1:
0x16: {  	_ = 	snop;
	(pc) =	sbr.rel @!p0 .LBB2_6-.Ltmp1, $1  }
0x17: {  	_ =	sdelay $0x3  }
.LBB2_1:
.Ltmp2:
0x18: {  	(pc) =	sbr.rel .LBB2_2-.Ltmp2, $4  }
0x19: {  	[dreg:$0x6] =	wrdreg s4  }
0x1a: {  	s4 =	rddreg [dreg:$0x5]  }
0x1b: {  	s1 =	rddreg [dreg:$0x4]  }
0x1c: {  	s7 =	rddreg [dreg:$0x3];
	s8 =	simm.s32 $0x0  }
.LBB2_4:
0x1d: {  	s8 =	sadd.s32 $0x1400, s8  }
0x1e: {  	p0 =	sne.s32 s8, $0x19000  }
.Ltmp3:
0x1f: {  	_ = 	snop;
	(pc) =	sbr.rel @!p0 .LBB2_5-.Ltmp3, $2  }
0x20: {  	_ =	sdelay $0x2  }
0x21: {  	s7 =	sadd.s32 $0x14000, s7;
	s1 =	sadd.s32 $0x14000, s1;
	s4 =	sadd.s32 $0x20, s4  }
.LBB2_2:
0x22: {  	p0 =	sgt.u32 s4, $0x270  }
.Ltmp4:
0x23: {  	_ = 	snop;
	(pc) =	sbr.rel @p0 .LBB2_4-.Ltmp4, $1  }
0x24: {  	_ =	sdelay $0x3  }
0x25: {  	s9 =	sadd.s32 s8, s5  }
0x26: {  	[tilespmem:s2], [sflag:$0x1] =	stream.linear.gather [hbm4b:s9+s2], $0x500, $0x38;
	[tilespmem:$0xAA00] =	vst v63  }
0x27: {  	s15 =	sadd.s32 s8, s6  }
0x28: {  	[tilespmem:s10], [sflag:$0x1] =	stream.linear.gather [hbm4b:s15+s2], $0x500, $0x38;
	[tilespmem:$0xAA00] =	vst v63  }
0x29: {  	_ =	swait.ge [sflag:s11], $0x500  }
0x2a: {  	[sflag:s11] =	ssyncset.done $0x0  }
0x2b: {  	[sflag:s11] =	ssyncadd.s32 $0xFFFFFB00  }
0x2c: {  	_ =	swait.ge [sflag:s11], $0x500  }
0x2d: {  	[sflag:s11] =	ssyncset.done $0x0  }
0x2e: {  	[sflag:s11] =	ssyncadd.s32 $0xFFFFFB00  }
0x2f: {  	[tilespmem:s13], [sflag:$0x2] =	stream.indirect.gather [hbm4b:s3+s12], $0x10, s2, s12, $0xb8;
	[tilespmem:$0xAA00] =	vst v63  }
0x30: {  	_ = 	snop  }
0x31: {  	[tilespmem:s14], [sflag:$0x3] =	stream.indirect.gather [hbm4b:s3+s12], $0x10, s10, s12, $0xb8;
	[tilespmem:$0xAA00] =	vst v63  }
0x32: {  	s15 =	simm.s32 $0x1200  }
0x33: {  	[tilespmem:s15], [sflag:$0x2] =	stream.indirect.gather [hbm4b:s3+s12], $0x10, s12, s12, $0xb8;
	[tilespmem:$0xAA00] =	vst v63  }
0x34: {  	s9 =	simm.s32 $0x580;
	s15 =	simm.s32 $0x6200  }
0x35: {  	[tilespmem:s15], [sflag:$0x3] =	stream.indirect.gather [hbm4b:s3+s12], $0x10, s9, s12, $0xb8;
	[tilespmem:$0xAA00] =	vst v63  }
0x36: {  	s9 =	simm.s32 $0x100;
	s15 =	simm.s32 $0x1A00  }
0x37: {  	[tilespmem:s15], [sflag:$0x2] =	stream.indirect.gather [hbm4b:s3+s12], $0x10, s9, s12, $0xb8;
	[tilespmem:$0xAA00] =	vst v63  }
0x38: {  	s9 =	simm.s32 $0x600;
	s15 =	simm.s32 $0x6A00  }
0x39: {  	[tilespmem:s15], [sflag:$0x3] =	stream.indirect.gather [hbm4b:s3+s12], $0x10, s9, s12, $0xb8;
	[tilespmem:$0xAA00] =	vst v63  }
0x3a: {  	s9 =	simm.s32 $0x180;
	s15 =	simm.s32 $0x2200  }
0x3b: {  	[tilespmem:s15], [sflag:$0x2] =	stream.indirect.gather [hbm4b:s3+s12], $0x10, s9, s12, $0xb8;
	[tilespmem:$0xAA00] =	vst v63  }
0x3c: {  	s9 =	simm.s32 $0x680;
	s15 =	simm.s32 $0x7200  }
0x3d: {  	[tilespmem:s15], [sflag:$0x3] =	stream.indirect.gather [hbm4b:s3+s12], $0x10, s9, s12, $0xb8;
	[tilespmem:$0xAA00] =	vst v63  }
0x3e: {  	s9 =	simm.s32 $0x200;
	s15 =	simm.s32 $0x2A00  }
0x3f: {  	[tilespmem:s15], [sflag:$0x2] =	stream.indirect.gather [hbm4b:s3+s12], $0x10, s9, s12, $0xb8;
	[tilespmem:$0xAA00] =	vst v63  }
0x40: {  	s9 =	simm.s32 $0x700;
	s15 =	simm.s32 $0x7A00  }
0x41: {  	[tilespmem:s15], [sflag:$0x3] =	stream.indirect.gather [hbm4b:s3+s12], $0x10, s9, s12, $0xb8;
	[tilespmem:$0xAA00] =	vst v63  }
0x42: {  	s9 =	simm.s32 $0x280;
	s15 =	simm.s32 $0x3200  }
0x43: {  	[tilespmem:s15], [sflag:$0x2] =	stream.indirect.gather [hbm4b:s3+s12], $0x10, s9, s12, $0xb8;
	[tilespmem:$0xAA00] =	vst v63  }
0x44: {  	s9 =	simm.s32 $0x780;
	s15 =	simm.s32 $0x8200  }
0x45: {  	[tilespmem:s15], [sflag:$0x3] =	stream.indirect.gather [hbm4b:s3+s12], $0x10, s9, s12, $0xb8;
	[tilespmem:$0xAA00] =	vst v63  }
0x46: {  	s9 =	simm.s32 $0x300;
	s15 =	simm.s32 $0x3A00  }
0x47: {  	[tilespmem:s15], [sflag:$0x2] =	stream.indirect.gather [hbm4b:s3+s12], $0x10, s9, s12, $0xb8;
	[tilespmem:$0xAA00] =	vst v63  }
0x48: {  	s9 =	simm.s32 $0x800;
	s15 =	simm.s32 $0x8A00  }
0x49: {  	[tilespmem:s15], [sflag:$0x3] =	stream.indirect.gather [hbm4b:s3+s12], $0x10, s9, s12, $0xb8;
	[tilespmem:$0xAA00] =	vst v63  }
0x4a: {  	_ = 	snop  }
0x4b: {  	[tilespmem:s17], [sflag:$0x2] =	stream.indirect.gather [hbm4b:s3+s12], $0x10, s16, s12, $0xb8;
	[tilespmem:$0xAA00] =	vst v63  }
0x4c: {  	_ = 	snop  }
0x4d: {  	[tilespmem:s19], [sflag:$0x3] =	stream.indirect.gather [hbm4b:s3+s12], $0x10, s18, s12, $0xb8;
	[tilespmem:$0xAA00] =	vst v63  }
0x4e: {  	_ = 	snop  }
0x4f: {  	[tilespmem:s21], [sflag:$0x2] =	stream.indirect.gather [hbm4b:s3+s12], $0x10, s20, s12, $0xb8;
	[tilespmem:$0xAA00] =	vst v63  }
0x50: {  	_ = 	snop  }
0x51: {  	[tilespmem:s23], [sflag:$0x3] =	stream.indirect.gather [hbm4b:s3+s12], $0x10, s22, s12, $0xb8;
	[tilespmem:$0xAA00] =	vst v63  }
0x52: {  	_ = 	snop  }
0x53: {  	[tilespmem:s25], [sflag:$0x2] =	stream.indirect.gather [hbm4b:s3+s12], $0x10, s24, s12, $0xb8;
	[tilespmem:$0xAA00] =	vst v63  }
0x54: {  	_ = 	snop  }
0x55: {  	[tilespmem:s28], [sflag:$0x3] =	stream.indirect.gather [hbm4b:s3+s12], $0x10, s26, s12, $0xb8;
	[tilespmem:$0xAA00] =	vst v63  }
0x56: {  	_ =	swait.ge [sflag:s29], $0x800  }
0x57: {  	[sflag:s29] =	ssyncset.done $0x0  }
0x58: {  	[sflag:s29] =	ssyncadd.s32 $0xFFFFF800  }
0x59: {  	_ =	swait.ge [sflag:s30], $0x800  }
0x5a: {  	[sflag:s30] =	ssyncset.done $0x0  }
0x5b: {  	[sflag:s30] =	ssyncadd.s32 $0xFFFFF800  }
0x5c: {  	_ =	swait.ge [sflag:s29], $0x800  }
0x5d: {  	[sflag:s29] =	ssyncset.done $0x0  }
0x5e: {  	[sflag:s29] =	ssyncadd.s32 $0xFFFFF800  }
0x5f: {  	_ =	swait.ge [sflag:s30], $0x800  }
0x60: {  	[sflag:s30] =	ssyncset.done $0x0  }
0x61: {  	[sflag:s30] =	ssyncadd.s32 $0xFFFFF800  }
0x62: {  	_ =	swait.ge [sflag:s29], $0x800  }
0x63: {  	[sflag:s29] =	ssyncset.done $0x0  }
0x64: {  	[sflag:s29] =	ssyncadd.s32 $0xFFFFF800  }
0x65: {  	_ =	swait.ge [sflag:s30], $0x800  }
0x66: {  	[sflag:s30] =	ssyncset.done $0x0  }
0x67: {  	[sflag:s30] =	ssyncadd.s32 $0xFFFFF800  }
0x68: {  	_ =	swait.ge [sflag:s29], $0x800  }
0x69: {  	[sflag:s29] =	ssyncset.done $0x0  }
0x6a: {  	[sflag:s29] =	ssyncadd.s32 $0xFFFFF800  }
0x6b: {  	_ =	swait.ge [sflag:s30], $0x800  }
0x6c: {  	[sflag:s30] =	ssyncset.done $0x0  }
0x6d: {  	[sflag:s30] =	ssyncadd.s32 $0xFFFFF800  }
0x6e: {  	_ =	swait.ge [sflag:s29], $0x800  }
0x6f: {  	[sflag:s29] =	ssyncset.done $0x0  }
0x70: {  	[sflag:s29] =	ssyncadd.s32 $0xFFFFF800  }
0x71: {  	_ =	swait.ge [sflag:s30], $0x800  }
0x72: {  	[sflag:s30] =	ssyncset.done $0x0  }
0x73: {  	[sflag:s30] =	ssyncadd.s32 $0xFFFFF800  }
0x74: {  	_ =	swait.ge [sflag:s29], $0x800  }
0x75: {  	[sflag:s29] =	ssyncset.done $0x0  }
0x76: {  	[sflag:s29] =	ssyncadd.s32 $0xFFFFF800  }
0x77: {  	_ =	swait.ge [sflag:s30], $0x800  }
0x78: {  	[sflag:s30] =	ssyncset.done $0x0  }
0x79: {  	[sflag:s30] =	ssyncadd.s32 $0xFFFFF800  }
0x7a: {  	_ =	swait.ge [sflag:s29], $0x800  }
0x7b: {  	[sflag:s29] =	ssyncset.done $0x0  }
0x7c: {  	[sflag:s29] =	ssyncadd.s32 $0xFFFFF800  }
0x7d: {  	_ =	swait.ge [sflag:s30], $0x800  }
0x7e: {  	[sflag:s30] =	ssyncset.done $0x0  }
0x7f: {  	[sflag:s30] =	ssyncadd.s32 $0xFFFFF800  }
0x80: {  	_ =	swait.ge [sflag:s29], $0x800  }
0x81: {  	[sflag:s29] =	ssyncset.done $0x0  }
0x82: {  	[sflag:s29] =	ssyncadd.s32 $0xFFFFF800  }
0x83: {  	_ =	swait.ge [sflag:s30], $0x800  }
0x84: {  	[sflag:s30] =	ssyncset.done $0x0  }
0x85: {  	[sflag:s30] =	ssyncadd.s32 $0xFFFFF800  }
0x86: {  	_ =	swait.ge [sflag:s29], $0x800  }
0x87: {  	[sflag:s29] =	ssyncset.done $0x0  }
0x88: {  	[sflag:s29] =	ssyncadd.s32 $0xFFFFF800  }
0x89: {  	_ =	swait.ge [sflag:s30], $0x800  }
0x8a: {  	[sflag:s30] =	ssyncset.done $0x0  }
0x8b: {  	[sflag:s30] =	ssyncadd.s32 $0xFFFFF800  }
0x8c: {  	_ =	swait.ge [sflag:s29], $0x800  }
0x8d: {  	[sflag:s29] =	ssyncset.done $0x0  }
0x8e: {  	[sflag:s29] =	ssyncadd.s32 $0xFFFFF800  }
0x8f: {  	_ =	swait.ge [sflag:s30], $0x800  }
0x90: {  	[sflag:s30] =	ssyncset.done $0x0  }
0x91: {  	[sflag:s30] =	ssyncadd.s32 $0xFFFFF800  }
0x92: {  	[hbm4b:s7+s2] =	stream.linear.scatter [tilespmem:s13], [sflag:$0x5], $0x5000, $0x38;
	[tilespmem:$0xAA00] =	vst v63  }
0x93: {  	_ =	swait.ge [sflag:s31], $0x5000  }
0x94: {  	[sflag:s31] =	ssyncset.done $0x0  }
.Ltmp5:
0x95: {  	[sflag:s31] =	ssyncadd.s32 $0xFFFFB000;
	(pc) =	sbr.rel .LBB2_4-.Ltmp5, $4  }
0x96: {  	[hbm4b:s1+s2] =	stream.linear.scatter [tilespmem:s14], [sflag:$0x4], $0x5000, $0x38;
	[tilespmem:$0xAA00] =	vst v63  }
0x97: {  	_ =	swait.ge [sflag:s0], $0x5000  }
0x98: {  	[sflag:s0] =	ssyncset.done $0x0  }
0x99: {  	[sflag:s0] =	ssyncadd.s32 $0xFFFFB000  }
.LBB2_6:
0x9a: {  	_ =	sfence.sel $0x180000  }
0x9b: {  	[bflag:$0x0] =	sbarrier.arrive $0xFFFF  }
0x9c: {  	_ =	strace $0x90000047  }
0x9d: {  	s0 =	stileid.u32;
	[bflag:$0x2] =	sbarrier.arrive $0xFFFF  }
0x9e: {  	p0 =	sne.s32 s0, $0x0;
	s0 =	rddreg [dreg:$0x1]  }
0x9f: {  	s0 =	sadd.s32 @!p0 $0x100000, s0  }
0xa0: {  	[sflag:s0] =	ssyncadd.tile.s32 @!p0 $0x1;
	_ =	shalt  }
.Lfunc_end2:
_tile_overlayer_lowered:
.L_overlay_start_2:
0xa1: {  	(tag) =	ssettag $0x2  }
0xa2: {  	s0 =	rddreg [dreg:$0x0];
	s2 =	stileid.u32  }
0xa3: {  	s1 =	rddreg [dreg:$0x1];
	p0 =	sne.s32 s2, $0x0  }
0xa4: {  	s3 =	rddreg [dreg:$0x2];
	[bflag:$0x3] =	sbarrier.arrive $0xFFFF;
	s2 =	simm.s32 @!p0 $0x1C04  }
0xa5: {  	[timem:s3], [sflag:s2] =	dma.local @!p0 [hbm:s0], s1  }
0xa6: {  	s0 =	simm.s32 @!p0 $0x4  }
0xa7: {  	_ =	swait.ge @!p0 [sflag:s0], s1  }
0xa8: {  	s1 =	ssub.s32 @!p0 $0x0, s1;
	[sflag:s0] =	ssyncset.done @!p0 $0x0  }
0xa9: {  	[sflag:s0] =	ssyncadd.s32 @!p0 s1  }
0xaa: {  	[bflag:$0x3] =	sbarrier.arrive $0xFFFF  }
0xab: {  	_ =	shalt  }

</sc_bundles>
